<compile_context>
chip_gen: v7x
topology: tpu7x:2x2x1
jax: 0.10.2.dev20260603
libtpu: 0.0.44.dev20260713+nightly
codegen_flags: <defaults>
</compile_context>

<pallas_src>
import functools

import jax
import jax.numpy as jnp
from jax.experimental import pallas as pl
from jax.experimental.pallas import tpu as pltpu

N_FPS_ = 2048
N_KNN_ = 20
_NR, _NL = 64, 128


def _fps_body_all(x_ref, xs_ref, idx_ref, fxyz_ref, dists_ref):
    B = idx_ref.shape[0]
    rows = jax.lax.broadcasted_iota(jnp.int32, (_NR, _NL), 0)
    cols = jax.lax.broadcasted_iota(jnp.int32, (_NR, _NL), 1)
    lin = rows * _NL + cols
    big = jnp.int32(2 ** 30)
    for b in range(B):
        dists_ref[b] = jnp.full((_NR, _NL), 1e10, jnp.float32)

    def body(i, fs):
        cs, nds = [], []
        for b in range(B):
            f = fs[b]
            cx = xs_ref[0, b, f]
            cy = xs_ref[1, b, f]
            cz = xs_ref[2, b, f]
            idx_ref[b, 0, i] = f
            fxyz_ref[b, 0, i] = cx
            fxyz_ref[b, 1, i] = cy
            fxyz_ref[b, 2, i] = cz
            cs.append((cx, cy, cz))
        for b in range(B):
            cx, cy, cz = cs[b]
            dx = x_ref[0, b] - cx
            dy = x_ref[1, b] - cy
            dz = x_ref[2, b] - cz
            d = (dx * dx + dy * dy) + dz * dz
            nd = jnp.minimum(dists_ref[b], d)
            dists_ref[b] = nd
            nds.append(nd)
        ts = []
        for b in range(B):
            t = jnp.maximum(nds[b][0:32], nds[b][32:64])
            t = jnp.maximum(t[0:16], t[16:32])
            t = jnp.maximum(t[0:8], t[8:16])
            ts.append(t)
        ms = [jnp.max(ts[b], axis=(0, 1), keepdims=True) for b in range(B)]
        ws = []
        for b in range(B):
            w = jnp.where(nds[b] == ms[b], lin, big)
            w = jnp.minimum(w[0:32], w[32:64])
            w = jnp.minimum(w[0:16], w[16:32])
            w = jnp.minimum(w[0:8], w[8:16])
            ws.append(w)
        return tuple(jnp.min(ws[b]) for b in range(B))

    jax.lax.fori_loop(0, N_FPS_, body, (jnp.int32(0),) * B)


def _fps_pallas(xyz):
    B, N, _ = xyz.shape
    xt = xyz.reshape(B, _NR, _NL, 3).transpose(3, 0, 1, 2)
    xs = xyz.transpose(2, 0, 1)
    idx, fxyz = pl.pallas_call(
        _fps_body_all,
        grid=(1,),
        in_specs=[
            pl.BlockSpec((3, B, _NR, _NL), lambda i: (0, 0, 0, 0)),
            pl.BlockSpec((3, B, N), lambda i: (0, 0, 0),
                         memory_space=pltpu.SMEM),
        ],
        out_specs=[
            pl.BlockSpec((B, 1, N_FPS_), lambda i: (0, 0, 0),
                         memory_space=pltpu.SMEM),
            pl.BlockSpec((B, 3, N_FPS_), lambda i: (0, 0, 0),
                         memory_space=pltpu.SMEM),
        ],
        out_shape=[
            jax.ShapeDtypeStruct((B, 1, N_FPS_), jnp.int32),
            jax.ShapeDtypeStruct((B, 3, N_FPS_), jnp.float32),
        ],
        scratch_shapes=[pltpu.VMEM((B, _NR, _NL), jnp.float32)],
    )(xt, xs)
    return idx.reshape(B, N_FPS_), fxyz


_QT = 128


def _knn_body(p_ref, q_ref, idx_ref, d_ref):
    p = p_ref[0]
    q = q_ref[0]
    px, py, pz = p[0:1, :], p[1:2, :], p[2:3, :]
    qx, qy, qz = q[:, 0:1], q[:, 1:2], q[:, 2:3]
    p2 = (px * px + py * py) + pz * pz
    q2 = (qx * qx + qy * qy) + qz * qz
    bf, f32 = jnp.bfloat16, jnp.float32
    pxb, pyb, pzb = (px.astype(bf).astype(f32), py.astype(bf).astype(f32),
                     pz.astype(bf).astype(f32))
    qxb, qyb, qzb = (qx.astype(bf).astype(f32), qy.astype(bf).astype(f32),
                     qz.astype(bf).astype(f32))
    qp = (qxb * pxb + qyb * pyb) + qzb * pzb
    d_ref[...] = (q2 + p2) - 2.0 * qp
    lin = jax.lax.broadcasted_iota(jnp.int32, (_QT, 8192), 1)
    big = jnp.int32(2 ** 30)
    inf = jnp.float32(3e38)
    for kk in range(N_KNN_):
        d = d_ref[...]
        m = jnp.min(d, axis=1, keepdims=True)
        ai = jnp.min(jnp.where(d == m, lin, big), axis=1, keepdims=True)
        idx_ref[0, :, kk:kk + 1] = ai
        d_ref[...] = jnp.where(lin == ai, inf, d)


def _knn_pallas(fxyz_t, xyz):
    B, N, _ = xyz.shape
    S = N_FPS_
    pt = jnp.concatenate(
        [xyz.transpose(0, 2, 1),
         jnp.zeros((B, 5, N), jnp.float32)], axis=1)
    qt = jnp.concatenate(
        [fxyz_t.transpose(0, 2, 1),
         jnp.zeros((B, S, 5), jnp.float32)], axis=2)
    idx = pl.pallas_call(
        _knn_body,
        grid=(B, S // _QT),
        in_specs=[
            pl.BlockSpec((1, 8, N), lambda b, s: (b, 0, 0)),
            pl.BlockSpec((1, _QT, 8), lambda b, s: (b, s, 0)),
        ],
        out_specs=pl.BlockSpec((1, _QT, N_KNN_), lambda b, s: (b, s, 0)),
        out_shape=jax.ShapeDtypeStruct((B, S, N_KNN_), jnp.int32),
        scratch_shapes=[pltpu.VMEM((_QT, N), jnp.float32)],
    )(pt, qt)
    return idx


_CH = 131
_TPB = 8
_SKW = N_FPS_ * N_KNN_ // _TPB


def _sc_gather_sub(B, N):
    from jax import lax
    from jax.experimental.pallas import tpu_sc as plsc

    mesh = plsc.VectorSubcoreMesh(core_axis_name="c", subcore_axis_name="s")

    @functools.partial(
        pl.kernel, mesh=mesh,
        compiler_params=pltpu.CompilerParams(needs_layout_passes=False),
        out_type=jax.ShapeDtypeStruct((B, _CH, _TPB * _SKW), jnp.float32),
        scratch_types=[
            pltpu.VMEM((N,), jnp.float32),
            pltpu.VMEM((_SKW,), jnp.int32),
            pltpu.VMEM((_SKW,), jnp.int32),
            pltpu.VMEM((_SKW,), jnp.float32),
        ],
    )
    def k(pf_hbm, idxf_hbm, cidx_hbm, out_hbm, colv, idxv, cidxv, outv):
        wid = lax.axis_index("s") * 2 + lax.axis_index("c")
        b = wid // _TPB
        base = (wid % _TPB) * _SKW
        pltpu.sync_copy(idxf_hbm.at[b, pl.ds(base, _SKW)], idxv)
        pltpu.sync_copy(cidx_hbm.at[b, pl.ds(base, _SKW)], cidxv)

        def chan(c, _):
            pltpu.sync_copy(pf_hbm.at[b, c], colv)

            def vec(j, _):
                iv = idxv[pl.ds(j * 16, 16)]
                cv = cidxv[pl.ds(j * 16, 16)]
                a = plsc.load_gather(colv, [iv])
                ctr = plsc.load_gather(colv, [cv])
                outv[pl.ds(j * 16, 16)] = a - ctr
                return 0

            lax.fori_loop(0, _SKW // 16, vec, 0, unroll=8)
            pltpu.sync_copy(outv, out_hbm.at[b, c, pl.ds(base, _SKW)])
            return 0

        lax.fori_loop(0, _CH, chan, 0)

    return k


def kernel(xyz, features):
    B, N, _ = xyz.shape
    C = features.shape[1]
    S, K = N_FPS_, N_KNN_

    center_idx, fxyz_t = _fps_pallas(jax.lax.stop_gradient(xyz))
    FPS_xyz = fxyz_t.transpose(0, 2, 1)
    idx = _knn_pallas(fxyz_t, xyz)

    pf = jnp.concatenate([xyz.transpose(0, 2, 1), features], axis=1)
    idxf = idx.reshape(B, S * K)
    cidxf = jnp.repeat(center_idx, K, axis=1)
    out = _sc_gather_sub(B, N)(pf, idxf, cidxf)
    return (FPS_xyz, out.reshape(B, _CH, S, K))

# --- scband reference (transcript-rebuilt; emitter-appended) ---
"""Pipeline reference for scband-construct-graph-61452392071868 (READ-ONLY COPY).

The authoritative reference and input builder live on the scoring server;
editing this copy changes nothing except your own understanding.
"""

import jax, jax.numpy as jnp
import numpy as np

N_FPS = 2048
N_KNN = 20


def setup_inputs(seed: int = 0) -> dict:
    key = jax.random.key(seed)
    k1, k2 = jax.random.split(key)
    xyz = jax.random.normal(k1, (4, 8192, 3), dtype=jnp.float32)
    features = jax.random.normal(k2, (4, 128, 8192), dtype=jnp.float32)
    return {"xyz": xyz, "features": features}


def _furthest_point_sampling(xyz, n_fps):
    # xyz: [B, N, 3] -> indices [B, n_fps] (int32), iterative FPS starting at index 0
    B, N, _ = xyz.shape

    def body(i, state):
        idxs, dists, farthest = state
        idxs = idxs.at[:, i].set(farthest)
        centroid = jnp.take_along_axis(xyz, farthest[:, None, None], axis=1)  # [B,1,3]
        d = jnp.sum((xyz - centroid) ** 2, axis=-1)  # [B,N]
        dists = jnp.minimum(dists, d)
        farthest = jnp.argmax(dists, axis=-1).astype(jnp.int32)
        return (idxs, dists, farthest)

    idxs0 = jnp.zeros((B, n_fps), dtype=jnp.int32)
    dists0 = jnp.full((B, N), 1e10, dtype=jnp.float32)
    farthest0 = jnp.zeros((B,), dtype=jnp.int32)
    idxs, _, _ = jax.lax.fori_loop(0, n_fps, body, (idxs0, dists0, farthest0))
    return idxs


def _knn_idx(query, points, k):
    # query: [B,S,3], points: [B,N,3] -> idx [B,S,k] sorted by ascending distance
    q2 = jnp.sum(query ** 2, axis=-1)[:, :, None]          # [B,S,1]
    p2 = jnp.sum(points ** 2, axis=-1)[:, None, :]          # [B,1,N]
    d = q2 + p2 - 2.0 * jnp.einsum('bsd,bnd->bsn', query, points)  # [B,S,N]
    _, idx = jax.lax.top_k(-d, k)                            # ascending distance
    return idx


def reference(xyz, features):
    # xyz: [B, N, 3]; features: [B, C, N]
    B = xyz.shape[0]
    # pointops.furthestsampling (indices are non-differentiable)
    center_idx = _furthest_point_sampling(jax.lax.stop_gradient(xyz), N_FPS)  # [B,S]
    bidx = jnp.arange(B)[:, None]
    # pointops.gathering on xyz_trans -> FPS_xyz [B,S,3]
    FPS_xyz = xyz[bidx, center_idx]
    # pointops.gathering on features -> center_features [B,C,S]
    feats_t = jnp.transpose(features, (0, 2, 1))  # [B,N,C]
    center_features = jnp.transpose(feats_t[bidx, center_idx], (0, 2, 1))  # [B,C,S]
    # pointops.knnquery
    idx = _knn_idx(FPS_xyz, xyz, N_KNN)  # [B,S,k]
    bidx3 = jnp.arange(B)[:, None, None]
    # pointops.grouping on xyz_trans -> [B,3,S,k]
    grouped_xyz = jnp.transpose(xyz[bidx3, idx], (0, 3, 1, 2))
    grouped_xyz = grouped_xyz - jnp.transpose(FPS_xyz, (0, 2, 1))[:, :, :, None]
    # pointops.grouping on features -> [B,C,S,k]
    grouped_features = jnp.transpose(feats_t[bidx3, idx], (0, 3, 1, 2))
    grouped_features = grouped_features - center_features[:, :, :, None]
    graph_features = jnp.concatenate([grouped_xyz, grouped_features], axis=1)  # [B,3+C,S,k]
    return (FPS_xyz, graph_features)

if __name__ == "__main__":
    import jax
    _d = setup_inputs()
    print(jax.jit(kernel)(*tuple(_d.values())))

</pallas_src>

<mosaic_0001>
#map = affine_map<(d0, d1) -> (0, 0, 0)>
#map1 = affine_map<(d0, d1) -> (0, 0)>
module attributes {stable_mosaic.version = 14 : i64} {
  func.func @k(%arg0: i32, %arg1: i32, %arg2: memref<4x131x8192xf32, #tpu.memory_space<hbm>>, %arg3: memref<4x40960xi32, #tpu.memory_space<hbm>>, %arg4: memref<4x40960xi32, #tpu.memory_space<hbm>>, %arg5: memref<4x131x40960xf32, #tpu.memory_space<hbm>>, %arg6: memref<8192xf32, #tpu.memory_space<vmem>>, %arg7: memref<5120xi32, #tpu.memory_space<vmem>>, %arg8: memref<5120xi32, #tpu.memory_space<vmem>>, %arg9: memref<5120xf32, #tpu.memory_space<vmem>>) attributes {dimension_semantics = [#tpu.dimension_semantics<core_parallel>, #tpu.dimension_semantics<subcore_parallel>], iteration_bounds = array<i64: 2, 16>, scalar_prefetch = 0 : i64, scratch_operands = 4 : i64, tpu.core_type = #tpu.core_type<sc_vector_subcore>, window_params = [{transform_indices = #map}, {transform_indices = #map1}, {transform_indices = #map1}, {transform_indices = #map}]} {
    %mul3A = arith.constant 2 : i32
    %mul3A_0 = arith.muli %arg1, %mul3A : i32
    %add3A = arith.addi %mul3A_0, %arg0 : i32
    %jit3A = arith.constant 8 : i32
    %div3A = arith.divsi %add3A, %jit3A : i32
    %sign3A = arith.constant 0 : i32
    %sign3A_1 = arith.cmpi sgt, %add3A, %sign3A : i32
    %sign3A_2 = arith.extui %sign3A_1 : i1 to i32
    %sign3A_3 = arith.constant 0 : i32
    %sign3A_4 = arith.cmpi slt, %add3A, %sign3A_3 : i32
    %sign3A_5 = arith.extui %sign3A_4 : i1 to i32
    %sign3A_6 = arith.subi %sign3A_2, %sign3A_5 : i32
    %sign3A_7 = arith.constant 0 : i32
    %sign3A_8 = arith.cmpi sgt, %jit3A, %sign3A_7 : i32
    %sign3A_9 = arith.extui %sign3A_8 : i1 to i32
    %sign3A_10 = arith.constant 0 : i32
    %sign3A_11 = arith.cmpi slt, %jit3A, %sign3A_10 : i32
    %sign3A_12 = arith.extui %sign3A_11 : i1 to i32
    %sign3A_13 = arith.subi %sign3A_9, %sign3A_12 : i32
    %ne3A = arith.cmpi ne, %sign3A_6, %sign3A_13 : i32
    %rem3A = arith.remsi %add3A, %jit3A : i32
    %ne3A_14 = arith.constant 0 : i32
    %ne3A_15 = arith.cmpi ne, %rem3A, %ne3A_14 : i32
    %and3A = arith.andi %ne3A, %ne3A_15 : i1
    %sub3A = arith.constant 1 : i32
    %sub3A_16 = arith.subi %div3A, %sub3A : i32
    %select_n3A = arith.select %and3A, %sub3A_16, %div3A : i32
    %jit3A_17 = arith.constant 8 : i32
    %eq3A = arith.constant 0 : i32
    %eq3A_18 = arith.cmpi eq, %jit3A_17, %eq3A : i32
    %jit3A_19 = arith.constant 1 : i32
    %select_n3A_20 = arith.select %eq3A_18, %jit3A_19, %jit3A_17 : i32
    %rem3A_21 = arith.remsi %add3A, %select_n3A_20 : i32
    %ne3A_22 = arith.constant 0 : i32
    %ne3A_23 = arith.cmpi ne, %rem3A_21, %ne3A_22 : i32
    %lt3A = arith.constant 0 : i32
    %lt3A_24 = arith.cmpi slt, %rem3A_21, %lt3A : i32
    %lt3A_25 = arith.constant 0 : i32
    %lt3A_26 = arith.cmpi slt, %select_n3A_20, %lt3A_25 : i32
    %ne3A_27 = arith.xori %lt3A_24, %lt3A_26 : i1
    %and3A_28 = arith.andi %ne3A_27, %ne3A_23 : i1
    %add3A_29 = arith.addi %rem3A_21, %select_n3A_20 : i32
    %select_n3A_30 = arith.select %and3A_28, %add3A_29, %rem3A_21 : i32
    %mul3A_31 = arith.constant 5120 : i32
    %mul3A_32 = arith.muli %select_n3A_30, %mul3A_31 : i32
    "tpu.region"() ({
      %run_scoped3A = tpu.sem_alloc : memref<!tpu.dma_semaphore, #tpu.memory_space<semaphore_mem>>
      %dma_start3A = tpu.memref_slice %arg3[%select_n3A, %mul3A_32] : memref<4x40960xi32, #tpu.memory_space<hbm>> -> memref<1x5120xi32, #tpu.memory_space<hbm>>
      %dma_start3A_39 = tpu.memref_squeeze %dma_start3A : memref<1x5120xi32, #tpu.memory_space<hbm>> -> memref<5120xi32, #tpu.memory_space<hbm>>
      %dma_start3A_40 = tpu.memref_slice %arg3[%select_n3A, %mul3A_32] : memref<4x40960xi32, #tpu.memory_space<hbm>> -> memref<1x5120xi32, #tpu.memory_space<hbm>>
      %dma_start3A_41 = tpu.memref_squeeze %dma_start3A_40 : memref<1x5120xi32, #tpu.memory_space<hbm>> -> memref<5120xi32, #tpu.memory_space<hbm>>
      tpu.enqueue_dma source(%dma_start3A_41 : memref<5120xi32, #tpu.memory_space<hbm>>) target(%arg7 : memref<5120xi32, #tpu.memory_space<vmem>>) target_semaphore(%run_scoped3A : memref<!tpu.dma_semaphore, #tpu.memory_space<semaphore_mem>>)
      %dma_wait3A = tpu.memref_slice %arg3[%select_n3A, %mul3A_32] : memref<4x40960xi32, #tpu.memory_space<hbm>> -> memref<1x5120xi32, #tpu.memory_space<hbm>>
      %dma_wait3A_42 = tpu.memref_squeeze %dma_wait3A : memref<1x5120xi32, #tpu.memory_space<hbm>> -> memref<5120xi32, #tpu.memory_space<hbm>>
      %dma_wait3A_43 = tpu.memref_slice %arg3[%select_n3A, %mul3A_32] : memref<4x40960xi32, #tpu.memory_space<hbm>> -> memref<1x5120xi32, #tpu.memory_space<hbm>>
      %dma_wait3A_44 = tpu.memref_squeeze %dma_wait3A_43 : memref<1x5120xi32, #tpu.memory_space<hbm>> -> memref<5120xi32, #tpu.memory_space<hbm>>
      tpu.wait_dma2 semaphore(%run_scoped3A : memref<!tpu.dma_semaphore, #tpu.memory_space<semaphore_mem>>) src(%dma_wait3A_44 : memref<5120xi32, #tpu.memory_space<hbm>>) dst(%arg7 : memref<5120xi32, #tpu.memory_space<vmem>>)
      tpu.yield
    }) : () -> ()
    "tpu.region"() ({
      %run_scoped3A = tpu.sem_alloc : memref<!tpu.dma_semaphore, #tpu.memory_space<semaphore_mem>>
      %dma_start3A = tpu.memref_slice %arg4[%select_n3A, %mul3A_32] : memref<4x40960xi32, #tpu.memory_space<hbm>> -> memref<1x5120xi32, #tpu.memory_space<hbm>>
      %dma_start3A_39 = tpu.memref_squeeze %dma_start3A : memref<1x5120xi32, #tpu.memory_space<hbm>> -> memref<5120xi32, #tpu.memory_space<hbm>>
      %dma_start3A_40 = tpu.memref_slice %arg4[%select_n3A, %mul3A_32] : memref<4x40960xi32, #tpu.memory_space<hbm>> -> memref<1x5120xi32, #tpu.memory_space<hbm>>
      %dma_start3A_41 = tpu.memref_squeeze %dma_start3A_40 : memref<1x5120xi32, #tpu.memory_space<hbm>> -> memref<5120xi32, #tpu.memory_space<hbm>>
      tpu.enqueue_dma source(%dma_start3A_41 : memref<5120xi32, #tpu.memory_space<hbm>>) target(%arg8 : memref<5120xi32, #tpu.memory_space<vmem>>) target_semaphore(%run_scoped3A : memref<!tpu.dma_semaphore, #tpu.memory_space<semaphore_mem>>)
      %dma_wait3A = tpu.memref_slice %arg4[%select_n3A, %mul3A_32] : memref<4x40960xi32, #tpu.memory_space<hbm>> -> memref<1x5120xi32, #tpu.memory_space<hbm>>
      %dma_wait3A_42 = tpu.memref_squeeze %dma_wait3A : memref<1x5120xi32, #tpu.memory_space<hbm>> -> memref<5120xi32, #tpu.memory_space<hbm>>
      %dma_wait3A_43 = tpu.memref_slice %arg4[%select_n3A, %mul3A_32] : memref<4x40960xi32, #tpu.memory_space<hbm>> -> memref<1x5120xi32, #tpu.memory_space<hbm>>
      %dma_wait3A_44 = tpu.memref_squeeze %dma_wait3A_43 : memref<1x5120xi32, #tpu.memory_space<hbm>> -> memref<5120xi32, #tpu.memory_space<hbm>>
      tpu.wait_dma2 semaphore(%run_scoped3A : memref<!tpu.dma_semaphore, #tpu.memory_space<semaphore_mem>>) src(%dma_wait3A_44 : memref<5120xi32, #tpu.memory_space<hbm>>) dst(%arg8 : memref<5120xi32, #tpu.memory_space<vmem>>)
      tpu.yield
    }) : () -> ()
    %scan3A = arith.constant 0 : i32
    %scan3A_33 = arith.constant 0 : i32
    %scan3A_34 = arith.constant 131 : i32
    %scan3A_35 = arith.addi %scan3A_33, %scan3A_34 : i32
    %scan3A_36 = arith.constant 1 : i32
    %scan3A_37 = scf.for %scan3A_39 = %scan3A_33 to %scan3A_35 step %scan3A_36 iter_args(%scan3A_40 = %scan3A) -> (i32)  : i32 {
      "tpu.region"() ({
        %run_scoped3A = tpu.sem_alloc : memref<!tpu.dma_semaphore, #tpu.memory_space<semaphore_mem>>
        %dma_start3A = arith.constant 0 : i32
        %dma_start3A_49 = tpu.memref_slice %arg2[%select_n3A, %scan3A_39, %dma_start3A] : memref<4x131x8192xf32, #tpu.memory_space<hbm>> -> memref<1x1x8192xf32, #tpu.memory_space<hbm>>
        %dma_start3A_50 = tpu.memref_squeeze %dma_start3A_49 : memref<1x1x8192xf32, #tpu.memory_space<hbm>> -> memref<8192xf32, #tpu.memory_space<hbm>>
        %dma_start3A_51 = arith.constant 0 : i32
        %dma_start3A_52 = tpu.memref_slice %arg2[%select_n3A, %scan3A_39, %dma_start3A_51] : memref<4x131x8192xf32, #tpu.memory_space<hbm>> -> memref<1x1x8192xf32, #tpu.memory_space<hbm>>
        %dma_start3A_53 = tpu.memref_squeeze %dma_start3A_52 : memref<1x1x8192xf32, #tpu.memory_space<hbm>> -> memref<8192xf32, #tpu.memory_space<hbm>>
        tpu.enqueue_dma source(%dma_start3A_53 : memref<8192xf32, #tpu.memory_space<hbm>>) target(%arg6 : memref<8192xf32, #tpu.memory_space<vmem>>) target_semaphore(%run_scoped3A : memref<!tpu.dma_semaphore, #tpu.memory_space<semaphore_mem>>)
        %dma_wait3A = arith.constant 0 : i32
        %dma_wait3A_54 = tpu.memref_slice %arg2[%select_n3A, %scan3A_39, %dma_wait3A] : memref<4x131x8192xf32, #tpu.memory_space<hbm>> -> memref<1x1x8192xf32, #tpu.memory_space<hbm>>
        %dma_wait3A_55 = tpu.memref_squeeze %dma_wait3A_54 : memref<1x1x8192xf32, #tpu.memory_space<hbm>> -> memref<8192xf32, #tpu.memory_space<hbm>>
        %dma_wait3A_56 = arith.constant 0 : i32
        %dma_wait3A_57 = tpu.memref_slice %arg2[%select_n3A, %scan3A_39, %dma_wait3A_56] : memref<4x131x8192xf32, #tpu.memory_space<hbm>> -> memref<1x1x8192xf32, #tpu.memory_space<hbm>>
        %dma_wait3A_58 = tpu.memref_squeeze %dma_wait3A_57 : memref<1x1x8192xf32, #tpu.memory_space<hbm>> -> memref<8192xf32, #tpu.memory_space<hbm>>
        tpu.wait_dma2 semaphore(%run_scoped3A : memref<!tpu.dma_semaphore, #tpu.memory_space<semaphore_mem>>) src(%dma_wait3A_58 : memref<8192xf32, #tpu.memory_space<hbm>>) dst(%arg6 : memref<8192xf32, #tpu.memory_space<vmem>>)
        tpu.yield
      }) : () -> ()
      %scan3A_41 = arith.constant 0 : i32
      %scan3A_42 = arith.constant 0 : i32
      %scan3A_43 = arith.constant 320 : i32
      %scan3A_44 = arith.addi %scan3A_42, %scan3A_43 : i32
      %scan3A_45 = arith.constant 8 : i32
      %scan3A_46 = scf.for %scan3A_49 = %scan3A_42 to %scan3A_44 step %scan3A_45 iter_args(%scan3A_50 = %scan3A_41) -> (i32)  : i32 {
        %mul3A_51 = arith.constant 16 : i32
        %mul3A_52 = arith.muli %scan3A_49, %mul3A_51 : i32
        %get3A = arith.index_cast %mul3A_52 : i32 to index
        %get3A_53 = tpu.vector_load %arg7[%get3A] {strides = array<i32>} : memref<5120xi32, #tpu.memory_space<vmem>>, vector<16xi32>,
        %mul3A_54 = arith.constant 16 : i32
        %mul3A_55 = arith.muli %scan3A_49, %mul3A_54 : i32
        %get3A_56 = arith.index_cast %mul3A_55 : i32 to index
        %get3A_57 = tpu.vector_load %arg8[%get3A_56] {strides = array<i32>} : memref<5120xi32, #tpu.memory_space<vmem>>, vector<16xi32>,
        %gather3A = tpu.vector_load_idx %arg6[%get3A_53] : memref<8192xf32, #tpu.memory_space<vmem>>[vector<16xi32>], vector<16xf32>,
        %gather3A_58 = tpu.vector_load_idx %arg6[%get3A_57] : memref<8192xf32, #tpu.memory_space<vmem>>[vector<16xi32>], vector<16xf32>,
        %sub3A_59 = arith.subf %gather3A, %gather3A_58 : vector<16xf32>
        %mul3A_60 = arith.constant 16 : i32
        %mul3A_61 = arith.muli %scan3A_49, %mul3A_60 : i32
        %swap3A = arith.index_cast %mul3A_61 : i32 to index
        %swap3A_62 = tpu.vector_load %arg9[%swap3A] {strides = array<i32>} : memref<5120xf32, #tpu.memory_space<vmem>>, vector<16xf32>,
        tpu.vector_store %arg9[%swap3A], %sub3A_59 {strides = array<i32>} : memref<5120xf32, #tpu.memory_space<vmem>>, vector<16xf32>,
        %scan3A_63 = arith.constant 0 : i32
        %scan3A_64 = arith.constant 1 : i32
        %scan3A_65 = arith.addi %scan3A_49, %scan3A_64 : i32
        %mul3A_66 = arith.constant 16 : i32
        %mul3A_67 = arith.muli %scan3A_65, %mul3A_66 : i32
        %get3A_68 = arith.index_cast %mul3A_67 : i32 to index
        %get3A_69 = tpu.vector_load %arg7[%get3A_68] {strides = array<i32>} : memref<5120xi32, #tpu.memory_space<vmem>>, vector<16xi32>,
        %mul3A_70 = arith.constant 16 : i32
        %mul3A_71 = arith.muli %scan3A_65, %mul3A_70 : i32
        %get3A_72 = arith.index_cast %mul3A_71 : i32 to index
        %get3A_73 = tpu.vector_load %arg8[%get3A_72] {strides = array<i32>} : memref<5120xi32, #tpu.memory_space<vmem>>, vector<16xi32>,
        %gather3A_74 = tpu.vector_load_idx %arg6[%get3A_69] : memref<8192xf32, #tpu.memory_space<vmem>>[vector<16xi32>], vector<16xf32>,
        %gather3A_75 = tpu.vector_load_idx %arg6[%get3A_73] : memref<8192xf32, #tpu.memory_space<vmem>>[vector<16xi32>], vector<16xf32>,
        %sub3A_76 = arith.subf %gather3A_74, %gather3A_75 : vector<16xf32>
        %mul3A_77 = arith.constant 16 : i32
        %mul3A_78 = arith.muli %scan3A_65, %mul3A_77 : i32
        %swap3A_79 = arith.index_cast %mul3A_78 : i32 to index
        %swap3A_80 = tpu.vector_load %arg9[%swap3A_79] {strides = array<i32>} : memref<5120xf32, #tpu.memory_space<vmem>>, vector<16xf32>,
        tpu.vector_store %arg9[%swap3A_79], %sub3A_76 {strides = array<i32>} : memref<5120xf32, #tpu.memory_space<vmem>>, vector<16xf32>,
        %scan3A_81 = arith.constant 0 : i32
        %scan3A_82 = arith.constant 2 : i32
        %scan3A_83 = arith.addi %scan3A_49, %scan3A_82 : i32
        %mul3A_84 = arith.constant 16 : i32
        %mul3A_85 = arith.muli %scan3A_83, %mul3A_84 : i32
        %get3A_86 = arith.index_cast %mul3A_85 : i32 to index
        %get3A_87 = tpu.vector_load %arg7[%get3A_86] {strides = array<i32>} : memref<5120xi32, #tpu.memory_space<vmem>>, vector<16xi32>,
        %mul3A_88 = arith.constant 16 : i32
        %mul3A_89 = arith.muli %scan3A_83, %mul3A_88 : i32
        %get3A_90 = arith.index_cast %mul3A_89 : i32 to index
        %get3A_91 = tpu.vector_load %arg8[%get3A_90] {strides = array<i32>} : memref<5120xi32, #tpu.memory_space<vmem>>, vector<16xi32>,
        %gather3A_92 = tpu.vector_load_idx %arg6[%get3A_87] : memref<8192xf32, #tpu.memory_space<vmem>>[vector<16xi32>], vector<16xf32>,
        %gather3A_93 = tpu.vector_load_idx %arg6[%get3A_91] : memref<8192xf32, #tpu.memory_space<vmem>>[vector<16xi32>], vector<16xf32>,
        %sub3A_94 = arith.subf %gather3A_92, %gather3A_93 : vector<16xf32>
        %mul3A_95 = arith.constant 16 : i32
        %mul3A_96 = arith.muli %scan3A_83, %mul3A_95 : i32
        %swap3A_97 = arith.index_cast %mul3A_96 : i32 to index
        %swap3A_98 = tpu.vector_load %arg9[%swap3A_97] {strides = array<i32>} : memref<5120xf32, #tpu.memory_space<vmem>>, vector<16xf32>,
        tpu.vector_store %arg9[%swap3A_97], %sub3A_94 {strides = array<i32>} : memref<5120xf32, #tpu.memory_space<vmem>>, vector<16xf32>,
        %scan3A_99 = arith.constant 0 : i32
        %scan3A_100 = arith.constant 3 : i32
        %scan3A_101 = arith.addi %scan3A_49, %scan3A_100 : i32
        %mul3A_102 = arith.constant 16 : i32
        %mul3A_103 = arith.muli %scan3A_101, %mul3A_102 : i32
        %get3A_104 = arith.index_cast %mul3A_103 : i32 to index
        %get3A_105 = tpu.vector_load %arg7[%get3A_104] {strides = array<i32>} : memref<5120xi32, #tpu.memory_space<vmem>>, vector<16xi32>,
        %mul3A_106 = arith.constant 16 : i32
        %mul3A_107 = arith.muli %scan3A_101, %mul3A_106 : i32
        %get3A_108 = arith.index_cast %mul3A_107 : i32 to index
        %get3A_109 = tpu.vector_load %arg8[%get3A_108] {strides = array<i32>} : memref<5120xi32, #tpu.memory_space<vmem>>, vector<16xi32>,
        %gather3A_110 = tpu.vector_load_idx %arg6[%get3A_105] : memref<8192xf32, #tpu.memory_space<vmem>>[vector<16xi32>], vector<16xf32>,
        %gather3A_111 = tpu.vector_load_idx %arg6[%get3A_109] : memref<8192xf32, #tpu.memory_space<vmem>>[vector<16xi32>], vector<16xf32>,
        %sub3A_112 = arith.subf %gather3A_110, %gather3A_111 : vector<16xf32>
        %mul3A_113 = arith.constant 16 : i32
        %mul3A_114 = arith.muli %scan3A_101, %mul3A_113 : i32
        %swap3A_115 = arith.index_cast %mul3A_114 : i32 to index
        %swap3A_116 = tpu.vector_load %arg9[%swap3A_115] {strides = array<i32>} : memref<5120xf32, #tpu.memory_space<vmem>>, vector<16xf32>,
        tpu.vector_store %arg9[%swap3A_115], %sub3A_112 {strides = array<i32>} : memref<5120xf32, #tpu.memory_space<vmem>>, vector<16xf32>,
        %scan3A_117 = arith.constant 0 : i32
        %scan3A_118 = arith.constant 4 : i32
        %scan3A_119 = arith.addi %scan3A_49, %scan3A_118 : i32
        %mul3A_120 = arith.constant 16 : i32
        %mul3A_121 = arith.muli %scan3A_119, %mul3A_120 : i32
        %get3A_122 = arith.index_cast %mul3A_121 : i32 to index
        %get3A_123 = tpu.vector_load %arg7[%get3A_122] {strides = array<i32>} : memref<5120xi32, #tpu.memory_space<vmem>>, vector<16xi32>,
        %mul3A_124 = arith.constant 16 : i32
        %mul3A_125 = arith.muli %scan3A_119, %mul3A_124 : i32
        %get3A_126 = arith.index_cast %mul3A_125 : i32 to index
        %get3A_127 = tpu.vector_load %arg8[%get3A_126] {strides = array<i32>} : memref<5120xi32, #tpu.memory_space<vmem>>, vector<16xi32>,
        %gather3A_128 = tpu.vector_load_idx %arg6[%get3A_123] : memref<8192xf32, #tpu.memory_space<vmem>>[vector<16xi32>], vector<16xf32>,
        %gather3A_129 = tpu.vector_load_idx %arg6[%get3A_127] : memref<8192xf32, #tpu.memory_space<vmem>>[vector<16xi32>], vector<16xf32>,
        %sub3A_130 = arith.subf %gather3A_128, %gather3A_129 : vector<16xf32>
        %mul3A_131 = arith.constant 16 : i32
        %mul3A_132 = arith.muli %scan3A_119, %mul3A_131 : i32
        %swap3A_133 = arith.index_cast %mul3A_132 : i32 to index
        %swap3A_134 = tpu.vector_load %arg9[%swap3A_133] {strides = array<i32>} : memref<5120xf32, #tpu.memory_space<vmem>>, vector<16xf32>,
        tpu.vector_store %arg9[%swap3A_133], %sub3A_130 {strides = array<i32>} : memref<5120xf32, #tpu.memory_space<vmem>>, vector<16xf32>,
        %scan3A_135 = arith.constant 0 : i32
        %scan3A_136 = arith.constant 5 : i32
        %scan3A_137 = arith.addi %scan3A_49, %scan3A_136 : i32
        %mul3A_138 = arith.constant 16 : i32
        %mul3A_139 = arith.muli %scan3A_137, %mul3A_138 : i32
        %get3A_140 = arith.index_cast %mul3A_139 : i32 to index
        %get3A_141 = tpu.vector_load %arg7[%get3A_140] {strides = array<i32>} : memref<5120xi32, #tpu.memory_space<vmem>>, vector<16xi32>,
        %mul3A_142 = arith.constant 16 : i32
        %mul3A_143 = arith.muli %scan3A_137, %mul3A_142 : i32
        %get3A_144 = arith.index_cast %mul3A_143 : i32 to index
        %get3A_145 = tpu.vector_load %arg8[%get3A_144] {strides = array<i32>} : memref<5120xi32, #tpu.memory_space<vmem>>, vector<16xi32>,
        %gather3A_146 = tpu.vector_load_idx %arg6[%get3A_141] : memref<8192xf32, #tpu.memory_space<vmem>>[vector<16xi32>], vector<16xf32>,
        %gather3A_147 = tpu.vector_load_idx %arg6[%get3A_145] : memref<8192xf32, #tpu.memory_space<vmem>>[vector<16xi32>], vector<16xf32>,
        %sub3A_148 = arith.subf %gather3A_146, %gather3A_147 : vector<16xf32>
        %mul3A_149 = arith.constant 16 : i32
        %mul3A_150 = arith.muli %scan3A_137, %mul3A_149 : i32
        %swap3A_151 = arith.index_cast %mul3A_150 : i32 to index
        %swap3A_152 = tpu.vector_load %arg9[%swap3A_151] {strides = array<i32>} : memref<5120xf32, #tpu.memory_space<vmem>>, vector<16xf32>,
        tpu.vector_store %arg9[%swap3A_151], %sub3A_148 {strides = array<i32>} : memref<5120xf32, #tpu.memory_space<vmem>>, vector<16xf32>,
        %scan3A_153 = arith.constant 0 : i32
        %scan3A_154 = arith.constant 6 : i32
        %scan3A_155 = arith.addi %scan3A_49, %scan3A_154 : i32
        %mul3A_156 = arith.constant 16 : i32
        %mul3A_157 = arith.muli %scan3A_155, %mul3A_156 : i32
        %get3A_158 = arith.index_cast %mul3A_157 : i32 to index
        %get3A_159 = tpu.vector_load %arg7[%get3A_158] {strides = array<i32>} : memref<5120xi32, #tpu.memory_space<vmem>>, vector<16xi32>,
        %mul3A_160 = arith.constant 16 : i32
        %mul3A_161 = arith.muli %scan3A_155, %mul3A_160 : i32
        %get3A_162 = arith.index_cast %mul3A_161 : i32 to index
        %get3A_163 = tpu.vector_load %arg8[%get3A_162] {strides = array<i32>} : memref<5120xi32, #tpu.memory_space<vmem>>, vector<16xi32>,
        %gather3A_164 = tpu.vector_load_idx %arg6[%get3A_159] : memref<8192xf32, #tpu.memory_space<vmem>>[vector<16xi32>], vector<16xf32>,
        %gather3A_165 = tpu.vector_load_idx %arg6[%get3A_163] : memref<8192xf32, #tpu.memory_space<vmem>>[vector<16xi32>], vector<16xf32>,
        %sub3A_166 = arith.subf %gather3A_164, %gather3A_165 : vector<16xf32>
        %mul3A_167 = arith.constant 16 : i32
        %mul3A_168 = arith.muli %scan3A_155, %mul3A_167 : i32
        %swap3A_169 = arith.index_cast %mul3A_168 : i32 to index
        %swap3A_170 = tpu.vector_load %arg9[%swap3A_169] {strides = array<i32>} : memref<5120xf32, #tpu.memory_space<vmem>>, vector<16xf32>,
        tpu.vector_store %arg9[%swap3A_169], %sub3A_166 {strides = array<i32>} : memref<5120xf32, #tpu.memory_space<vmem>>, vector<16xf32>,
        %scan3A_171 = arith.constant 0 : i32
        %scan3A_172 = arith.constant 7 : i32
        %scan3A_173 = arith.addi %scan3A_49, %scan3A_172 : i32
        %mul3A_174 = arith.constant 16 : i32
        %mul3A_175 = arith.muli %scan3A_173, %mul3A_174 : i32
        %get3A_176 = arith.index_cast %mul3A_175 : i32 to index
        %get3A_177 = tpu.vector_load %arg7[%get3A_176] {strides = array<i32>} : memref<5120xi32, #tpu.memory_space<vmem>>, vector<16xi32>,
        %mul3A_178 = arith.constant 16 : i32
        %mul3A_179 = arith.muli %scan3A_173, %mul3A_178 : i32
        %get3A_180 = arith.index_cast %mul3A_179 : i32 to index
        %get3A_181 = tpu.vector_load %arg8[%get3A_180] {strides = array<i32>} : memref<5120xi32, #tpu.memory_space<vmem>>, vector<16xi32>,
        %gather3A_182 = tpu.vector_load_idx %arg6[%get3A_177] : memref<8192xf32, #tpu.memory_space<vmem>>[vector<16xi32>], vector<16xf32>,
        %gather3A_183 = tpu.vector_load_idx %arg6[%get3A_181] : memref<8192xf32, #tpu.memory_space<vmem>>[vector<16xi32>], vector<16xf32>,
        %sub3A_184 = arith.subf %gather3A_182, %gather3A_183 : vector<16xf32>
        %mul3A_185 = arith.constant 16 : i32
        %mul3A_186 = arith.muli %scan3A_173, %mul3A_185 : i32
        %swap3A_187 = arith.index_cast %mul3A_186 : i32 to index
        %swap3A_188 = tpu.vector_load %arg9[%swap3A_187] {strides = array<i32>} : memref<5120xf32, #tpu.memory_space<vmem>>, vector<16xf32>,
        tpu.vector_store %arg9[%swap3A_187], %sub3A_184 {strides = array<i32>} : memref<5120xf32, #tpu.memory_space<vmem>>, vector<16xf32>,
        %scan3A_189 = arith.constant 0 : i32
        scf.yield %scan3A_189 : i32
      }
      %scan3A_47 = arith.constant 320 : i32
      "tpu.region"() ({
        %run_scoped3A = tpu.sem_alloc : memref<!tpu.dma_semaphore, #tpu.memory_space<semaphore_mem>>
        %dma_start3A = tpu.memref_slice %arg5[%select_n3A, %scan3A_39, %mul3A_32] : memref<4x131x40960xf32, #tpu.memory_space<hbm>> -> memref<1x1x5120xf32, #tpu.memory_space<hbm>>
        %dma_start3A_49 = tpu.memref_squeeze %dma_start3A : memref<1x1x5120xf32, #tpu.memory_space<hbm>> -> memref<5120xf32, #tpu.memory_space<hbm>>
        %dma_start3A_50 = tpu.memref_slice %arg5[%select_n3A, %scan3A_39, %mul3A_32] : memref<4x131x40960xf32, #tpu.memory_space<hbm>> -> memref<1x1x5120xf32, #tpu.memory_space<hbm>>
        %dma_start3A_51 = tpu.memref_squeeze %dma_start3A_50 : memref<1x1x5120xf32, #tpu.memory_space<hbm>> -> memref<5120xf32, #tpu.memory_space<hbm>>
        tpu.enqueue_dma source(%arg9 : memref<5120xf32, #tpu.memory_space<vmem>>) target(%dma_start3A_51 : memref<5120xf32, #tpu.memory_space<hbm>>) target_semaphore(%run_scoped3A : memref<!tpu.dma_semaphore, #tpu.memory_space<semaphore_mem>>)
        %dma_wait3A = tpu.memref_slice %arg5[%select_n3A, %scan3A_39, %mul3A_32] : memref<4x131x40960xf32, #tpu.memory_space<hbm>> -> memref<1x1x5120xf32, #tpu.memory_space<hbm>>
        %dma_wait3A_52 = tpu.memref_squeeze %dma_wait3A : memref<1x1x5120xf32, #tpu.memory_space<hbm>> -> memref<5120xf32, #tpu.memory_space<hbm>>
        %dma_wait3A_53 = tpu.memref_slice %arg5[%select_n3A, %scan3A_39, %mul3A_32] : memref<4x131x40960xf32, #tpu.memory_space<hbm>> -> memref<1x1x5120xf32, #tpu.memory_space<hbm>>
        %dma_wait3A_54 = tpu.memref_squeeze %dma_wait3A_53 : memref<1x1x5120xf32, #tpu.memory_space<hbm>> -> memref<5120xf32, #tpu.memory_space<hbm>>
        tpu.wait_dma2 semaphore(%run_scoped3A : memref<!tpu.dma_semaphore, #tpu.memory_space<semaphore_mem>>) src(%arg9 : memref<5120xf32, #tpu.memory_space<vmem>>) dst(%dma_wait3A_54 : memref<5120xf32, #tpu.memory_space<hbm>>)
        tpu.yield
      }) : () -> ()
      %scan3A_48 = arith.constant 0 : i32
      scf.yield %scan3A_48 : i32
    }
    %scan3A_38 = arith.constant 131 : i32
    return
  }
}

module attributes {stable_mosaic.version = 14 : i64} {
  func.func @_fps_body_all(%arg0: i32, %arg1: memref<3x4x64x128xf32, #tpu.memory_space<vmem>>, %arg2: memref<3x4x8192xf32, #tpu.memory_space<smem>>, %arg3: memref<4x1x2048xi32, #tpu.memory_space<smem>>, %arg4: memref<4x3x2048xf32, #tpu.memory_space<smem>>, %arg5: memref<4x64x128xf32, #tpu.memory_space<vmem>>) attributes {dimension_semantics = [#tpu.dimension_semantics<arbitrary>], iteration_bounds = array<i64: 1>, scalar_prefetch = 0 : i64, scratch_operands = 1 : i64, tpu.core_type = #tpu.core_type<tc>, window_params = [{pipeline_mode = #tpu.pipeline_mode<synchronous>, transform_indices = @transform_0, window_bounds = array<i64: 3, 4, 64, 128>}, {transform_indices = @transform_1, window_bounds = array<i64: 3, 4, 8192>}, {transform_indices = @transform_2, window_bounds = array<i64: 4, 1, 2048>}, {transform_indices = @transform_3, window_bounds = array<i64: 4, 3, 2048>}]} {
    %iota3A = tpu.iota {dimensions = array<i32: 0>} : vector<64x128xi32>
    %iota3A_0 = tpu.iota {dimensions = array<i32: 1>} : vector<64x128xi32>
    %mul3A = arith.constant 128 : i32
    %mul3A_1 = vector.broadcast %mul3A : i32 to vector<64x128xi32>
    %mul3A_2 = arith.muli %iota3A, %mul3A_1 : vector<64x128xi32>
    %add3A = arith.addi %mul3A_2, %iota3A_0 : vector<64x128xi32>
    %broadcast_in_dim3A = arith.constant 1.000000e+10 : f32
    %broadcast_in_dim3A_3 = vector.broadcast %broadcast_in_dim3A : f32 to vector<64x128xf32>
    %swap3A = arith.constant 0 : index
    %swap3A_4 = arith.constant 0 : index
    %swap3A_5 = arith.constant 0 : index
    %swap3A_6 = vector.load %arg5[%swap3A, %swap3A_4, %swap3A_5] : memref<4x64x128xf32, #tpu.memory_space<vmem>>, vector<1x64x128xf32>
    %swap3A_7 = vector.shape_cast %swap3A_6 : vector<1x64x128xf32> to vector<64x128xf32>
    %swap3A_8 = vector.shape_cast %broadcast_in_dim3A_3 : vector<64x128xf32> to vector<1x64x128xf32>
    tpu.vector_store %arg5[%swap3A, %swap3A_4, %swap3A_5], %swap3A_8 {strides = array<i32>} : memref<4x64x128xf32, #tpu.memory_space<vmem>>, vector<1x64x128xf32>,
    %broadcast_in_dim3A_9 = arith.constant 1.000000e+10 : f32
    %broadcast_in_dim3A_10 = vector.broadcast %broadcast_in_dim3A_9 : f32 to vector<64x128xf32>
    %swap3A_11 = arith.constant 1 : index
    %swap3A_12 = arith.constant 0 : index
    %swap3A_13 = arith.constant 0 : index
    %swap3A_14 = vector.load %arg5[%swap3A_11, %swap3A_12, %swap3A_13] : memref<4x64x128xf32, #tpu.memory_space<vmem>>, vector<1x64x128xf32>
    %swap3A_15 = vector.shape_cast %swap3A_14 : vector<1x64x128xf32> to vector<64x128xf32>
    %swap3A_16 = vector.shape_cast %broadcast_in_dim3A_10 : vector<64x128xf32> to vector<1x64x128xf32>
    tpu.vector_store %arg5[%swap3A_11, %swap3A_12, %swap3A_13], %swap3A_16 {strides = array<i32>} : memref<4x64x128xf32, #tpu.memory_space<vmem>>, vector<1x64x128xf32>,
    %broadcast_in_dim3A_17 = arith.constant 1.000000e+10 : f32
    %broadcast_in_dim3A_18 = vector.broadcast %broadcast_in_dim3A_17 : f32 to vector<64x128xf32>
    %swap3A_19 = arith.constant 2 : index
    %swap3A_20 = arith.constant 0 : index
    %swap3A_21 = arith.constant 0 : index
    %swap3A_22 = vector.load %arg5[%swap3A_19, %swap3A_20, %swap3A_21] : memref<4x64x128xf32, #tpu.memory_space<vmem>>, vector<1x64x128xf32>
    %swap3A_23 = vector.shape_cast %swap3A_22 : vector<1x64x128xf32> to vector<64x128xf32>
    %swap3A_24 = vector.shape_cast %broadcast_in_dim3A_18 : vector<64x128xf32> to vector<1x64x128xf32>
    tpu.vector_store %arg5[%swap3A_19, %swap3A_20, %swap3A_21], %swap3A_24 {strides = array<i32>} : memref<4x64x128xf32, #tpu.memory_space<vmem>>, vector<1x64x128xf32>,
    %broadcast_in_dim3A_25 = arith.constant 1.000000e+10 : f32
    %broadcast_in_dim3A_26 = vector.broadcast %broadcast_in_dim3A_25 : f32 to vector<64x128xf32>
    %swap3A_27 = arith.constant 3 : index
    %swap3A_28 = arith.constant 0 : index
    %swap3A_29 = arith.constant 0 : index
    %swap3A_30 = vector.load %arg5[%swap3A_27, %swap3A_28, %swap3A_29] : memref<4x64x128xf32, #tpu.memory_space<vmem>>, vector<1x64x128xf32>
    %swap3A_31 = vector.shape_cast %swap3A_30 : vector<1x64x128xf32> to vector<64x128xf32>
    %swap3A_32 = vector.shape_cast %broadcast_in_dim3A_26 : vector<64x128xf32> to vector<1x64x128xf32>
    tpu.vector_store %arg5[%swap3A_27, %swap3A_28, %swap3A_29], %swap3A_32 {strides = array<i32>} : memref<4x64x128xf32, #tpu.memory_space<vmem>>, vector<1x64x128xf32>,
    %scan3A = arith.constant 1073741824 : i32
    %scan3A_33 = arith.constant 0 : i32
    %scan3A_34 = arith.constant 0 : i32
    %scan3A_35 = arith.constant 0 : i32
    %scan3A_36 = arith.constant 0 : i32
    %scan3A_37 = arith.constant 0 : i32
    %scan3A_38 = arith.constant 2048 : i32
    %scan3A_39 = arith.addi %scan3A_37, %scan3A_38 : i32
    %scan3A_40 = arith.constant 1 : i32
    %scan3A_41:4 = scf.for %scan3A_43 = %scan3A_37 to %scan3A_39 step %scan3A_40 iter_args(%scan3A_44 = %scan3A_33, %scan3A_45 = %scan3A_34, %scan3A_46 = %scan3A_35, %scan3A_47 = %scan3A_36) -> (i32, i32, i32, i32)  : i32 {
      %get3A = arith.constant 0 : index
      %get3A_48 = arith.constant 0 : index
      %get3A_49 = arith.index_cast %scan3A_44 : i32 to index
      %get3A_50 = memref.load %arg2[%get3A, %get3A_48, %get3A_49] : memref<3x4x8192xf32, #tpu.memory_space<smem>>
      %get3A_51 = arith.constant 1 : index
      %get3A_52 = arith.constant 0 : index
      %get3A_53 = arith.index_cast %scan3A_44 : i32 to index
      %get3A_54 = memref.load %arg2[%get3A_51, %get3A_52, %get3A_53] : memref<3x4x8192xf32, #tpu.memory_space<smem>>
      %get3A_55 = arith.constant 2 : index
      %get3A_56 = arith.constant 0 : index
      %get3A_57 = arith.index_cast %scan3A_44 : i32 to index
      %get3A_58 = memref.load %arg2[%get3A_55, %get3A_56, %get3A_57] : memref<3x4x8192xf32, #tpu.memory_space<smem>>
      %swap3A_59 = arith.constant 0 : index
      %swap3A_60 = arith.constant 0 : index
      %swap3A_61 = arith.index_cast %scan3A_43 : i32 to index
      %swap3A_62 = memref.load %arg3[%swap3A_59, %swap3A_60, %swap3A_61] : memref<4x1x2048xi32, #tpu.memory_space<smem>>
      memref.store %scan3A_44, %arg3[%swap3A_59, %swap3A_60, %swap3A_61] : memref<4x1x2048xi32, #tpu.memory_space<smem>>
      %swap3A_63 = arith.constant 0 : index
      %swap3A_64 = arith.constant 0 : index
      %swap3A_65 = arith.index_cast %scan3A_43 : i32 to index
      %swap3A_66 = memref.load %arg4[%swap3A_63, %swap3A_64, %swap3A_65] : memref<4x3x2048xf32, #tpu.memory_space<smem>>
      memref.store %get3A_50, %arg4[%swap3A_63, %swap3A_64, %swap3A_65] : memref<4x3x2048xf32, #tpu.memory_space<smem>>
      %swap3A_67 = arith.constant 0 : index
      %swap3A_68 = arith.constant 1 : index
      %swap3A_69 = arith.index_cast %scan3A_43 : i32 to index
      %swap3A_70 = memref.load %arg4[%swap3A_67, %swap3A_68, %swap3A_69] : memref<4x3x2048xf32, #tpu.memory_space<smem>>
      memref.store %get3A_54, %arg4[%swap3A_67, %swap3A_68, %swap3A_69] : memref<4x3x2048xf32, #tpu.memory_space<smem>>
      %swap3A_71 = arith.constant 0 : index
      %swap3A_72 = arith.constant 2 : index
      %swap3A_73 = arith.index_cast %scan3A_43 : i32 to index
      %swap3A_74 = memref.load %arg4[%swap3A_71, %swap3A_72, %swap3A_73] : memref<4x3x2048xf32, #tpu.memory_space<smem>>
      memref.store %get3A_58, %arg4[%swap3A_71, %swap3A_72, %swap3A_73] : memref<4x3x2048xf32, #tpu.memory_space<smem>>
      %get3A_75 = arith.constant 0 : index
      %get3A_76 = arith.constant 1 : index
      %get3A_77 = arith.index_cast %scan3A_45 : i32 to index
      %get3A_78 = memref.load %arg2[%get3A_75, %get3A_76, %get3A_77] : memref<3x4x8192xf32, #tpu.memory_space<smem>>
      %get3A_79 = arith.constant 1 : index
      %get3A_80 = arith.constant 1 : index
      %get3A_81 = arith.index_cast %scan3A_45 : i32 to index
      %get3A_82 = memref.load %arg2[%get3A_79, %get3A_80, %get3A_81] : memref<3x4x8192xf32, #tpu.memory_space<smem>>
      %get3A_83 = arith.constant 2 : index
      %get3A_84 = arith.constant 1 : index
      %get3A_85 = arith.index_cast %scan3A_45 : i32 to index
      %get3A_86 = memref.load %arg2[%get3A_83, %get3A_84, %get3A_85] : memref<3x4x8192xf32, #tpu.memory_space<smem>>
      %swap3A_87 = arith.constant 1 : index
      %swap3A_88 = arith.constant 0 : index
      %swap3A_89 = arith.index_cast %scan3A_43 : i32 to index
      %swap3A_90 = memref.load %arg3[%swap3A_87, %swap3A_88, %swap3A_89] : memref<4x1x2048xi32, #tpu.memory_space<smem>>
      memref.store %scan3A_45, %arg3[%swap3A_87, %swap3A_88, %swap3A_89] : memref<4x1x2048xi32, #tpu.memory_space<smem>>
      %swap3A_91 = arith.constant 1 : index
      %swap3A_92 = arith.constant 0 : index
      %swap3A_93 = arith.index_cast %scan3A_43 : i32 to index
      %swap3A_94 = memref.load %arg4[%swap3A_91, %swap3A_92, %swap3A_93] : memref<4x3x2048xf32, #tpu.memory_space<smem>>
      memref.store %get3A_78, %arg4[%swap3A_91, %swap3A_92, %swap3A_93] : memref<4x3x2048xf32, #tpu.memory_space<smem>>
      %swap3A_95 = arith.constant 1 : index
      %swap3A_96 = arith.constant 1 : index
      %swap3A_97 = arith.index_cast %scan3A_43 : i32 to index
      %swap3A_98 = memref.load %arg4[%swap3A_95, %swap3A_96, %swap3A_97] : memref<4x3x2048xf32, #tpu.memory_space<smem>>
      memref.store %get3A_82, %arg4[%swap3A_95, %swap3A_96, %swap3A_97] : memref<4x3x2048xf32, #tpu.memory_space<smem>>
      %swap3A_99 = arith.constant 1 : index
      %swap3A_100 = arith.constant 2 : index
      %swap3A_101 = arith.index_cast %scan3A_43 : i32 to index
      %swap3A_102 = memref.load %arg4[%swap3A_99, %swap3A_100, %swap3A_101] : memref<4x3x2048xf32, #tpu.memory_space<smem>>
      memref.store %get3A_86, %arg4[%swap3A_99, %swap3A_100, %swap3A_101] : memref<4x3x2048xf32, #tpu.memory_space<smem>>
      %get3A_103 = arith.constant 0 : index
      %get3A_104 = arith.constant 2 : index
      %get3A_105 = arith.index_cast %scan3A_46 : i32 to index
      %get3A_106 = memref.load %arg2[%get3A_103, %get3A_104, %get3A_105] : memref<3x4x8192xf32, #tpu.memory_space<smem>>
      %get3A_107 = arith.constant 1 : index
      %get3A_108 = arith.constant 2 : index
      %get3A_109 = arith.index_cast %scan3A_46 : i32 to index
      %get3A_110 = memref.load %arg2[%get3A_107, %get3A_108, %get3A_109] : memref<3x4x8192xf32, #tpu.memory_space<smem>>
      %get3A_111 = arith.constant 2 : index
      %get3A_112 = arith.constant 2 : index
      %get3A_113 = arith.index_cast %scan3A_46 : i32 to index
      %get3A_114 = memref.load %arg2[%get3A_111, %get3A_112, %get3A_113] : memref<3x4x8192xf32, #tpu.memory_space<smem>>
      %swap3A_115 = arith.constant 2 : index
      %swap3A_116 = arith.constant 0 : index
      %swap3A_117 = arith.index_cast %scan3A_43 : i32 to index
      %swap3A_118 = memref.load %arg3[%swap3A_115, %swap3A_116, %swap3A_117] : memref<4x1x2048xi32, #tpu.memory_space<smem>>
      memref.store %scan3A_46, %arg3[%swap3A_115, %swap3A_116, %swap3A_117] : memref<4x1x2048xi32, #tpu.memory_space<smem>>
      %swap3A_119 = arith.constant 2 : index
      %swap3A_120 = arith.constant 0 : index
      %swap3A_121 = arith.index_cast %scan3A_43 : i32 to index
      %swap3A_122 = memref.load %arg4[%swap3A_119, %swap3A_120, %swap3A_121] : memref<4x3x2048xf32, #tpu.memory_space<smem>>
      memref.store %get3A_106, %arg4[%swap3A_119, %swap3A_120, %swap3A_121] : memref<4x3x2048xf32, #tpu.memory_space<smem>>
      %swap3A_123 = arith.constant 2 : index
      %swap3A_124 = arith.constant 1 : index
      %swap3A_125 = arith.index_cast %scan3A_43 : i32 to index
      %swap3A_126 = memref.load %arg4[%swap3A_123, %swap3A_124, %swap3A_125] : memref<4x3x2048xf32, #tpu.memory_space<smem>>
      memref.store %get3A_110, %arg4[%swap3A_123, %swap3A_124, %swap3A_125] : memref<4x3x2048xf32, #tpu.memory_space<smem>>
      %swap3A_127 = arith.constant 2 : index
      %swap3A_128 = arith.constant 2 : index
      %swap3A_129 = arith.index_cast %scan3A_43 : i32 to index
      %swap3A_130 = memref.load %arg4[%swap3A_127, %swap3A_128, %swap3A_129] : memref<4x3x2048xf32, #tpu.memory_space<smem>>
      memref.store %get3A_114, %arg4[%swap3A_127, %swap3A_128, %swap3A_129] : memref<4x3x2048xf32, #tpu.memory_space<smem>>
      %get3A_131 = arith.constant 0 : index
      %get3A_132 = arith.constant 3 : index
      %get3A_133 = arith.index_cast %scan3A_47 : i32 to index
      %get3A_134 = memref.load %arg2[%get3A_131, %get3A_132, %get3A_133] : memref<3x4x8192xf32, #tpu.memory_space<smem>>
      %get3A_135 = arith.constant 1 : index
      %get3A_136 = arith.constant 3 : index
      %get3A_137 = arith.index_cast %scan3A_47 : i32 to index
      %get3A_138 = memref.load %arg2[%get3A_135, %get3A_136, %get3A_137] : memref<3x4x8192xf32, #tpu.memory_space<smem>>
      %get3A_139 = arith.constant 2 : index
      %get3A_140 = arith.constant 3 : index
      %get3A_141 = arith.index_cast %scan3A_47 : i32 to index
      %get3A_142 = memref.load %arg2[%get3A_139, %get3A_140, %get3A_141] : memref<3x4x8192xf32, #tpu.memory_space<smem>>
      %swap3A_143 = arith.constant 3 : index
      %swap3A_144 = arith.constant 0 : index
      %swap3A_145 = arith.index_cast %scan3A_43 : i32 to index
      %swap3A_146 = memref.load %arg3[%swap3A_143, %swap3A_144, %swap3A_145] : memref<4x1x2048xi32, #tpu.memory_space<smem>>
      memref.store %scan3A_47, %arg3[%swap3A_143, %swap3A_144, %swap3A_145] : memref<4x1x2048xi32, #tpu.memory_space<smem>>
      %swap3A_147 = arith.constant 3 : index
      %swap3A_148 = arith.constant 0 : index
      %swap3A_149 = arith.index_cast %scan3A_43 : i32 to index
      %swap3A_150 = memref.load %arg4[%swap3A_147, %swap3A_148, %swap3A_149] : memref<4x3x2048xf32, #tpu.memory_space<smem>>
      memref.store %get3A_134, %arg4[%swap3A_147, %swap3A_148, %swap3A_149] : memref<4x3x2048xf32, #tpu.memory_space<smem>>
      %swap3A_151 = arith.constant 3 : index
      %swap3A_152 = arith.constant 1 : index
      %swap3A_153 = arith.index_cast %scan3A_43 : i32 to index
      %swap3A_154 = memref.load %arg4[%swap3A_151, %swap3A_152, %swap3A_153] : memref<4x3x2048xf32, #tpu.memory_space<smem>>
      memref.store %get3A_138, %arg4[%swap3A_151, %swap3A_152, %swap3A_153] : memref<4x3x2048xf32, #tpu.memory_space<smem>>
      %swap3A_155 = arith.constant 3 : index
      %swap3A_156 = arith.constant 2 : index
      %swap3A_157 = arith.index_cast %scan3A_43 : i32 to index
      %swap3A_158 = memref.load %arg4[%swap3A_155, %swap3A_156, %swap3A_157] : memref<4x3x2048xf32, #tpu.memory_space<smem>>
      memref.store %get3A_142, %arg4[%swap3A_155, %swap3A_156, %swap3A_157] : memref<4x3x2048xf32, #tpu.memory_space<smem>>
      %get3A_159 = arith.constant 0 : index
      %get3A_160 = arith.constant 0 : index
      %get3A_161 = arith.constant 0 : index
      %get3A_162 = arith.constant 0 : index
      %get3A_163 = vector.load %arg1[%get3A_159, %get3A_160, %get3A_161, %get3A_162] : memref<3x4x64x128xf32, #tpu.memory_space<vmem>>, vector<1x1x64x128xf32>
      %get3A_164 = vector.shape_cast %get3A_163 : vector<1x1x64x128xf32> to vector<64x128xf32>
      %sub3A = vector.broadcast %get3A_50 : f32 to vector<64x128xf32>
      %sub3A_165 = arith.subf %get3A_164, %sub3A : vector<64x128xf32>
      %get3A_166 = arith.constant 1 : index
      %get3A_167 = arith.constant 0 : index
      %get3A_168 = arith.constant 0 : index
      %get3A_169 = arith.constant 0 : index
      %get3A_170 = vector.load %arg1[%get3A_166, %get3A_167, %get3A_168, %get3A_169] : memref<3x4x64x128xf32, #tpu.memory_space<vmem>>, vector<1x1x64x128xf32>
      %get3A_171 = vector.shape_cast %get3A_170 : vector<1x1x64x128xf32> to vector<64x128xf32>
      %sub3A_172 = vector.broadcast %get3A_54 : f32 to vector<64x128xf32>
      %sub3A_173 = arith.subf %get3A_171, %sub3A_172 : vector<64x128xf32>
      %get3A_174 = arith.constant 2 : index
      %get3A_175 = arith.constant 0 : index
      %get3A_176 = arith.constant 0 : index
      %get3A_177 = arith.constant 0 : index
      %get3A_178 = vector.load %arg1[%get3A_174, %get3A_175, %get3A_176, %get3A_177] : memref<3x4x64x128xf32, #tpu.memory_space<vmem>>, vector<1x1x64x128xf32>
      %get3A_179 = vector.shape_cast %get3A_178 : vector<1x1x64x128xf32> to vector<64x128xf32>
      %sub3A_180 = vector.broadcast %get3A_58 : f32 to vector<64x128xf32>
      %sub3A_181 = arith.subf %get3A_179, %sub3A_180 : vector<64x128xf32>
      %mul3A_182 = arith.mulf %sub3A_165, %sub3A_165 : vector<64x128xf32>
      %mul3A_183 = arith.mulf %sub3A_173, %sub3A_173 : vector<64x128xf32>
      %add3A_184 = arith.addf %mul3A_182, %mul3A_183 : vector<64x128xf32>
      %mul3A_185 = arith.mulf %sub3A_181, %sub3A_181 : vector<64x128xf32>
      %add3A_186 = arith.addf %add3A_184, %mul3A_185 : vector<64x128xf32>
      %get3A_187 = arith.constant 0 : index
      %get3A_188 = arith.constant 0 : index
      %get3A_189 = arith.constant 0 : index
      %get3A_190 = vector.load %arg5[%get3A_187, %get3A_188, %get3A_189] : memref<4x64x128xf32, #tpu.memory_space<vmem>>, vector<1x64x128xf32>
      %get3A_191 = vector.shape_cast %get3A_190 : vector<1x64x128xf32> to vector<64x128xf32>
      %min3A = arith.minimumf %get3A_191, %add3A_186 : vector<64x128xf32>
      %swap3A_192 = arith.constant 0 : index
      %swap3A_193 = arith.constant 0 : index
      %swap3A_194 = arith.constant 0 : index
      %swap3A_195 = vector.load %arg5[%swap3A_192, %swap3A_193, %swap3A_194] : memref<4x64x128xf32, #tpu.memory_space<vmem>>, vector<1x64x128xf32>
      %swap3A_196 = vector.shape_cast %swap3A_195 : vector<1x64x128xf32> to vector<64x128xf32>
      %swap3A_197 = vector.shape_cast %min3A : vector<64x128xf32> to vector<1x64x128xf32>
      tpu.vector_store %arg5[%swap3A_192, %swap3A_193, %swap3A_194], %swap3A_197 {strides = array<i32>} : memref<4x64x128xf32, #tpu.memory_space<vmem>>, vector<1x64x128xf32>,
      %get3A_198 = arith.constant 0 : index
      %get3A_199 = arith.constant 1 : index
      %get3A_200 = arith.constant 0 : index
      %get3A_201 = arith.constant 0 : index
      %get3A_202 = vector.load %arg1[%get3A_198, %get3A_199, %get3A_200, %get3A_201] : memref<3x4x64x128xf32, #tpu.memory_space<vmem>>, vector<1x1x64x128xf32>
      %get3A_203 = vector.shape_cast %get3A_202 : vector<1x1x64x128xf32> to vector<64x128xf32>
      %sub3A_204 = vector.broadcast %get3A_78 : f32 to vector<64x128xf32>
      %sub3A_205 = arith.subf %get3A_203, %sub3A_204 : vector<64x128xf32>
      %get3A_206 = arith.constant 1 : index
      %get3A_207 = arith.constant 1 : index
      %get3A_208 = arith.constant 0 : index
      %get3A_209 = arith.constant 0 : index
      %get3A_210 = vector.load %arg1[%get3A_206, %get3A_207, %get3A_208, %get3A_209] : memref<3x4x64x128xf32, #tpu.memory_space<vmem>>, vector<1x1x64x128xf32>
      %get3A_211 = vector.shape_cast %get3A_210 : vector<1x1x64x128xf32> to vector<64x128xf32>
      %sub3A_212 = vector.broadcast %get3A_82 : f32 to vector<64x128xf32>
      %sub3A_213 = arith.subf %get3A_211, %sub3A_212 : vector<64x128xf32>
      %get3A_214 = arith.constant 2 : index
      %get3A_215 = arith.constant 1 : index
      %get3A_216 = arith.constant 0 : index
      %get3A_217 = arith.constant 0 : index
      %get3A_218 = vector.load %arg1[%get3A_214, %get3A_215, %get3A_216, %get3A_217] : memref<3x4x64x128xf32, #tpu.memory_space<vmem>>, vector<1x1x64x128xf32>
      %get3A_219 = vector.shape_cast %get3A_218 : vector<1x1x64x128xf32> to vector<64x128xf32>
      %sub3A_220 = vector.broadcast %get3A_86 : f32 to vector<64x128xf32>
      %sub3A_221 = arith.subf %get3A_219, %sub3A_220 : vector<64x128xf32>
      %mul3A_222 = arith.mulf %sub3A_205, %sub3A_205 : vector<64x128xf32>
      %mul3A_223 = arith.mulf %sub3A_213, %sub3A_213 : vector<64x128xf32>
      %add3A_224 = arith.addf %mul3A_222, %mul3A_223 : vector<64x128xf32>
      %mul3A_225 = arith.mulf %sub3A_221, %sub3A_221 : vector<64x128xf32>
      %add3A_226 = arith.addf %add3A_224, %mul3A_225 : vector<64x128xf32>
      %get3A_227 = arith.constant 1 : index
      %get3A_228 = arith.constant 0 : index
      %get3A_229 = arith.constant 0 : index
      %get3A_230 = vector.load %arg5[%get3A_227, %get3A_228, %get3A_229] : memref<4x64x128xf32, #tpu.memory_space<vmem>>, vector<1x64x128xf32>
      %get3A_231 = vector.shape_cast %get3A_230 : vector<1x64x128xf32> to vector<64x128xf32>
      %min3A_232 = arith.minimumf %get3A_231, %add3A_226 : vector<64x128xf32>
      %swap3A_233 = arith.constant 1 : index
      %swap3A_234 = arith.constant 0 : index
      %swap3A_235 = arith.constant 0 : index
      %swap3A_236 = vector.load %arg5[%swap3A_233, %swap3A_234, %swap3A_235] : memref<4x64x128xf32, #tpu.memory_space<vmem>>, vector<1x64x128xf32>
      %swap3A_237 = vector.shape_cast %swap3A_236 : vector<1x64x128xf32> to vector<64x128xf32>
      %swap3A_238 = vector.shape_cast %min3A_232 : vector<64x128xf32> to vector<1x64x128xf32>
      tpu.vector_store %arg5[%swap3A_233, %swap3A_234, %swap3A_235], %swap3A_238 {strides = array<i32>} : memref<4x64x128xf32, #tpu.memory_space<vmem>>, vector<1x64x128xf32>,
      %get3A_239 = arith.constant 0 : index
      %get3A_240 = arith.constant 2 : index
      %get3A_241 = arith.constant 0 : index
      %get3A_242 = arith.constant 0 : index
      %get3A_243 = vector.load %arg1[%get3A_239, %get3A_240, %get3A_241, %get3A_242] : memref<3x4x64x128xf32, #tpu.memory_space<vmem>>, vector<1x1x64x128xf32>
      %get3A_244 = vector.shape_cast %get3A_243 : vector<1x1x64x128xf32> to vector<64x128xf32>
      %sub3A_245 = vector.broadcast %get3A_106 : f32 to vector<64x128xf32>
      %sub3A_246 = arith.subf %get3A_244, %sub3A_245 : vector<64x128xf32>
      %get3A_247 = arith.constant 1 : index
      %get3A_248 = arith.constant 2 : index
      %get3A_249 = arith.constant 0 : index
      %get3A_250 = arith.constant 0 : index
      %get3A_251 = vector.load %arg1[%get3A_247, %get3A_248, %get3A_249, %get3A_250] : memref<3x4x64x128xf32, #tpu.memory_space<vmem>>, vector<1x1x64x128xf32>
      %get3A_252 = vector.shape_cast %get3A_251 : vector<1x1x64x128xf32> to vector<64x128xf32>
      %sub3A_253 = vector.broadcast %get3A_110 : f32 to vector<64x128xf32>
      %sub3A_254 = arith.subf %get3A_252, %sub3A_253 : vector<64x128xf32>
      %get3A_255 = arith.constant 2 : index
      %get3A_256 = arith.constant 2 : index
      %get3A_257 = arith.constant 0 : index
      %get3A_258 = arith.constant 0 : index
      %get3A_259 = vector.load %arg1[%get3A_255, %get3A_256, %get3A_257, %get3A_258] : memref<3x4x64x128xf32, #tpu.memory_space<vmem>>, vector<1x1x64x128xf32>
      %get3A_260 = vector.shape_cast %get3A_259 : vector<1x1x64x128xf32> to vector<64x128xf32>
      %sub3A_261 = vector.broadcast %get3A_114 : f32 to vector<64x128xf32>
      %sub3A_262 = arith.subf %get3A_260, %sub3A_261 : vector<64x128xf32>
      %mul3A_263 = arith.mulf %sub3A_246, %sub3A_246 : vector<64x128xf32>
      %mul3A_264 = arith.mulf %sub3A_254, %sub3A_254 : vector<64x128xf32>
      %add3A_265 = arith.addf %mul3A_263, %mul3A_264 : vector<64x128xf32>
      %mul3A_266 = arith.mulf %sub3A_262, %sub3A_262 : vector<64x128xf32>
      %add3A_267 = arith.addf %add3A_265, %mul3A_266 : vector<64x128xf32>
      %get3A_268 = arith.constant 2 : index
      %get3A_269 = arith.constant 0 : index
      %get3A_270 = arith.constant 0 : index
      %get3A_271 = vector.load %arg5[%get3A_268, %get3A_269, %get3A_270] : memref<4x64x128xf32, #tpu.memory_space<vmem>>, vector<1x64x128xf32>
      %get3A_272 = vector.shape_cast %get3A_271 : vector<1x64x128xf32> to vector<64x128xf32>
      %min3A_273 = arith.minimumf %get3A_272, %add3A_267 : vector<64x128xf32>
      %swap3A_274 = arith.constant 2 : index
      %swap3A_275 = arith.constant 0 : index
      %swap3A_276 = arith.constant 0 : index
      %swap3A_277 = vector.load %arg5[%swap3A_274, %swap3A_275, %swap3A_276] : memref<4x64x128xf32, #tpu.memory_space<vmem>>, vector<1x64x128xf32>
      %swap3A_278 = vector.shape_cast %swap3A_277 : vector<1x64x128xf32> to vector<64x128xf32>
      %swap3A_279 = vector.shape_cast %min3A_273 : vector<64x128xf32> to vector<1x64x128xf32>
      tpu.vector_store %arg5[%swap3A_274, %swap3A_275, %swap3A_276], %swap3A_279 {strides = array<i32>} : memref<4x64x128xf32, #tpu.memory_space<vmem>>, vector<1x64x128xf32>,
      %get3A_280 = arith.constant 0 : index
      %get3A_281 = arith.constant 3 : index
      %get3A_282 = arith.constant 0 : index
      %get3A_283 = arith.constant 0 : index
      %get3A_284 = vector.load %arg1[%get3A_280, %get3A_281, %get3A_282, %get3A_283] : memref<3x4x64x128xf32, #tpu.memory_space<vmem>>, vector<1x1x64x128xf32>
      %get3A_285 = vector.shape_cast %get3A_284 : vector<1x1x64x128xf32> to vector<64x128xf32>
      %sub3A_286 = vector.broadcast %get3A_134 : f32 to vector<64x128xf32>
      %sub3A_287 = arith.subf %get3A_285, %sub3A_286 : vector<64x128xf32>
      %get3A_288 = arith.constant 1 : index
      %get3A_289 = arith.constant 3 : index
      %get3A_290 = arith.constant 0 : index
      %get3A_291 = arith.constant 0 : index
      %get3A_292 = vector.load %arg1[%get3A_288, %get3A_289, %get3A_290, %get3A_291] : memref<3x4x64x128xf32, #tpu.memory_space<vmem>>, vector<1x1x64x128xf32>
      %get3A_293 = vector.shape_cast %get3A_292 : vector<1x1x64x128xf32> to vector<64x128xf32>
      %sub3A_294 = vector.broadcast %get3A_138 : f32 to vector<64x128xf32>
      %sub3A_295 = arith.subf %get3A_293, %sub3A_294 : vector<64x128xf32>
      %get3A_296 = arith.constant 2 : index
      %get3A_297 = arith.constant 3 : index
      %get3A_298 = arith.constant 0 : index
      %get3A_299 = arith.constant 0 : index
      %get3A_300 = vector.load %arg1[%get3A_296, %get3A_297, %get3A_298, %get3A_299] : memref<3x4x64x128xf32, #tpu.memory_space<vmem>>, vector<1x1x64x128xf32>
      %get3A_301 = vector.shape_cast %get3A_300 : vector<1x1x64x128xf32> to vector<64x128xf32>
      %sub3A_302 = vector.broadcast %get3A_142 : f32 to vector<64x128xf32>
      %sub3A_303 = arith.subf %get3A_301, %sub3A_302 : vector<64x128xf32>
      %mul3A_304 = arith.mulf %sub3A_287, %sub3A_287 : vector<64x128xf32>
      %mul3A_305 = arith.mulf %sub3A_295, %sub3A_295 : vector<64x128xf32>
      %add3A_306 = arith.addf %mul3A_304, %mul3A_305 : vector<64x128xf32>
      %mul3A_307 = arith.mulf %sub3A_303, %sub3A_303 : vector<64x128xf32>
      %add3A_308 = arith.addf %add3A_306, %mul3A_307 : vector<64x128xf32>
      %get3A_309 = arith.constant 3 : index
      %get3A_310 = arith.constant 0 : index
      %get3A_311 = arith.constant 0 : index
      %get3A_312 = vector.load %arg5[%get3A_309, %get3A_310, %get3A_311] : memref<4x64x128xf32, #tpu.memory_space<vmem>>, vector<1x64x128xf32>
      %get3A_313 = vector.shape_cast %get3A_312 : vector<1x64x128xf32> to vector<64x128xf32>
      %min3A_314 = arith.minimumf %get3A_313, %add3A_308 : vector<64x128xf32>
      %swap3A_315 = arith.constant 3 : index
      %swap3A_316 = arith.constant 0 : index
      %swap3A_317 = arith.constant 0 : index
      %swap3A_318 = vector.load %arg5[%swap3A_315, %swap3A_316, %swap3A_317] : memref<4x64x128xf32, #tpu.memory_space<vmem>>, vector<1x64x128xf32>
      %swap3A_319 = vector.shape_cast %swap3A_318 : vector<1x64x128xf32> to vector<64x128xf32>
      %swap3A_320 = vector.shape_cast %min3A_314 : vector<64x128xf32> to vector<1x64x128xf32>
      tpu.vector_store %arg5[%swap3A_315, %swap3A_316, %swap3A_317], %swap3A_320 {strides = array<i32>} : memref<4x64x128xf32, #tpu.memory_space<vmem>>, vector<1x64x128xf32>,
      %slice3A = vector.extract_strided_slice %min3A {offsets = [0, 0], sizes = [32, 128], strides = [1, 1]} : vector<64x128xf32> to vector<32x128xf32>
      %slice3A_321 = vector.extract_strided_slice %min3A {offsets = [32, 0], sizes = [32, 128], strides = [1, 1]} : vector<64x128xf32> to vector<32x128xf32>
      %max3A = arith.maximumf %slice3A, %slice3A_321 : vector<32x128xf32>
      %slice3A_322 = vector.extract_strided_slice %max3A {offsets = [0, 0], sizes = [16, 128], strides = [1, 1]} : vector<32x128xf32> to vector<16x128xf32>
      %slice3A_323 = vector.extract_strided_slice %max3A {offsets = [16, 0], sizes = [16, 128], strides = [1, 1]} : vector<32x128xf32> to vector<16x128xf32>
      %max3A_324 = arith.maximumf %slice3A_322, %slice3A_323 : vector<16x128xf32>
      %slice3A_325 = vector.extract_strided_slice %max3A_324 {offsets = [0, 0], sizes = [8, 128], strides = [1, 1]} : vector<16x128xf32> to vector<8x128xf32>
      %slice3A_326 = vector.extract_strided_slice %max3A_324 {offsets = [8, 0], sizes = [8, 128], strides = [1, 1]} : vector<16x128xf32> to vector<8x128xf32>
      %max3A_327 = arith.maximumf %slice3A_325, %slice3A_326 : vector<8x128xf32>
      %slice3A_328 = vector.extract_strided_slice %min3A_232 {offsets = [0, 0], sizes = [32, 128], strides = [1, 1]} : vector<64x128xf32> to vector<32x128xf32>
      %slice3A_329 = vector.extract_strided_slice %min3A_232 {offsets = [32, 0], sizes = [32, 128], strides = [1, 1]} : vector<64x128xf32> to vector<32x128xf32>
      %max3A_330 = arith.maximumf %slice3A_328, %slice3A_329 : vector<32x128xf32>
      %slice3A_331 = vector.extract_strided_slice %max3A_330 {offsets = [0, 0], sizes = [16, 128], strides = [1, 1]} : vector<32x128xf32> to vector<16x128xf32>
      %slice3A_332 = vector.extract_strided_slice %max3A_330 {offsets = [16, 0], sizes = [16, 128], strides = [1, 1]} : vector<32x128xf32> to vector<16x128xf32>
      %max3A_333 = arith.maximumf %slice3A_331, %slice3A_332 : vector<16x128xf32>
      %slice3A_334 = vector.extract_strided_slice %max3A_333 {offsets = [0, 0], sizes = [8, 128], strides = [1, 1]} : vector<16x128xf32> to vector<8x128xf32>
      %slice3A_335 = vector.extract_strided_slice %max3A_333 {offsets = [8, 0], sizes = [8, 128], strides = [1, 1]} : vector<16x128xf32> to vector<8x128xf32>
      %max3A_336 = arith.maximumf %slice3A_334, %slice3A_335 : vector<8x128xf32>
      %slice3A_337 = vector.extract_strided_slice %min3A_273 {offsets = [0, 0], sizes = [32, 128], strides = [1, 1]} : vector<64x128xf32> to vector<32x128xf32>
      %slice3A_338 = vector.extract_strided_slice %min3A_273 {offsets = [32, 0], sizes = [32, 128], strides = [1, 1]} : vector<64x128xf32> to vector<32x128xf32>
      %max3A_339 = arith.maximumf %slice3A_337, %slice3A_338 : vector<32x128xf32>
      %slice3A_340 = vector.extract_strided_slice %max3A_339 {offsets = [0, 0], sizes = [16, 128], strides = [1, 1]} : vector<32x128xf32> to vector<16x128xf32>
      %slice3A_341 = vector.extract_strided_slice %max3A_339 {offsets = [16, 0], sizes = [16, 128], strides = [1, 1]} : vector<32x128xf32> to vector<16x128xf32>
      %max3A_342 = arith.maximumf %slice3A_340, %slice3A_341 : vector<16x128xf32>
      %slice3A_343 = vector.extract_strided_slice %max3A_342 {offsets = [0, 0], sizes = [8, 128], strides = [1, 1]} : vector<16x128xf32> to vector<8x128xf32>
      %slice3A_344 = vector.extract_strided_slice %max3A_342 {offsets = [8, 0], sizes = [8, 128], strides = [1, 1]} : vector<16x128xf32> to vector<8x128xf32>
      %max3A_345 = arith.maximumf %slice3A_343, %slice3A_344 : vector<8x128xf32>
      %slice3A_346 = vector.extract_strided_slice %min3A_314 {offsets = [0, 0], sizes = [32, 128], strides = [1, 1]} : vector<64x128xf32> to vector<32x128xf32>
      %slice3A_347 = vector.extract_strided_slice %min3A_314 {offsets = [32, 0], sizes = [32, 128], strides = [1, 1]} : vector<64x128xf32> to vector<32x128xf32>
      %max3A_348 = arith.maximumf %slice3A_346, %slice3A_347 : vector<32x128xf32>
      %slice3A_349 = vector.extract_strided_slice %max3A_348 {offsets = [0, 0], sizes = [16, 128], strides = [1, 1]} : vector<32x128xf32> to vector<16x128xf32>
      %slice3A_350 = vector.extract_strided_slice %max3A_348 {offsets = [16, 0], sizes = [16, 128], strides = [1, 1]} : vector<32x128xf32> to vector<16x128xf32>
      %max3A_351 = arith.maximumf %slice3A_349, %slice3A_350 : vector<16x128xf32>
      %slice3A_352 = vector.extract_strided_slice %max3A_351 {offsets = [0, 0], sizes = [8, 128], strides = [1, 1]} : vector<16x128xf32> to vector<8x128xf32>
      %slice3A_353 = vector.extract_strided_slice %max3A_351 {offsets = [8, 0], sizes = [8, 128], strides = [1, 1]} : vector<16x128xf32> to vector<8x128xf32>
      %max3A_354 = arith.maximumf %slice3A_352, %slice3A_353 : vector<8x128xf32>
      %reduce_max3A = vector.shape_cast %max3A_327 : vector<8x128xf32> to vector<1x8x128xf32>
      %reduce_max3A_355 = arith.constant dense<0xFF800000> : vector<1xf32>
      %reduce_max3A_356 = vector.multi_reduction <maximumf>, %reduce_max3A, %reduce_max3A_355 [1, 2] : vector<1x8x128xf32> to vector<1xf32>
      %reduce_max3A_357 = vector.shape_cast %reduce_max3A_356 : vector<1xf32> to vector<1x1x1xf32>
      %reduce_max3A_358 = vector.extract %reduce_max3A_357[0, 0, 0] : f32 from vector<1x1x1xf32>
      %broadcast_in_dim3A_359 = vector.broadcast %reduce_max3A_358 : f32 to vector<1x1xf32>
      %reduce_max3A_360 = vector.shape_cast %max3A_336 : vector<8x128xf32> to vector<1x8x128xf32>
      %reduce_max3A_361 = arith.constant dense<0xFF800000> : vector<1xf32>
      %reduce_max3A_362 = vector.multi_reduction <maximumf>, %reduce_max3A_360, %reduce_max3A_361 [1, 2] : vector<1x8x128xf32> to vector<1xf32>
      %reduce_max3A_363 = vector.shape_cast %reduce_max3A_362 : vector<1xf32> to vector<1x1x1xf32>
      %reduce_max3A_364 = vector.extract %reduce_max3A_363[0, 0, 0] : f32 from vector<1x1x1xf32>
      %broadcast_in_dim3A_365 = vector.broadcast %reduce_max3A_364 : f32 to vector<1x1xf32>
      %reduce_max3A_366 = vector.shape_cast %max3A_345 : vector<8x128xf32> to vector<1x8x128xf32>
      %reduce_max3A_367 = arith.constant dense<0xFF800000> : vector<1xf32>
      %reduce_max3A_368 = vector.multi_reduction <maximumf>, %reduce_max3A_366, %reduce_max3A_367 [1, 2] : vector<1x8x128xf32> to vector<1xf32>
      %reduce_max3A_369 = vector.shape_cast %reduce_max3A_368 : vector<1xf32> to vector<1x1x1xf32>
      %reduce_max3A_370 = vector.extract %reduce_max3A_369[0, 0, 0] : f32 from vector<1x1x1xf32>
      %broadcast_in_dim3A_371 = vector.broadcast %reduce_max3A_370 : f32 to vector<1x1xf32>
      %reduce_max3A_372 = vector.shape_cast %max3A_354 : vector<8x128xf32> to vector<1x8x128xf32>
      %reduce_max3A_373 = arith.constant dense<0xFF800000> : vector<1xf32>
      %reduce_max3A_374 = vector.multi_reduction <maximumf>, %reduce_max3A_372, %reduce_max3A_373 [1, 2] : vector<1x8x128xf32> to vector<1xf32>
      %reduce_max3A_375 = vector.shape_cast %reduce_max3A_374 : vector<1xf32> to vector<1x1x1xf32>
      %reduce_max3A_376 = vector.extract %reduce_max3A_375[0, 0, 0] : f32 from vector<1x1x1xf32>
      %broadcast_in_dim3A_377 = vector.broadcast %reduce_max3A_376 : f32 to vector<1x1xf32>
      %eq3A = vector.broadcast %broadcast_in_dim3A_359 : vector<1x1xf32> to vector<64x128xf32>
      %eq3A_378 = arith.cmpf oeq, %min3A, %eq3A : vector<64x128xf32>
      %broadcast_in_dim3A_379 = vector.broadcast %scan3A : i32 to vector<64x128xi32>
      %select_n3A = arith.select %eq3A_378, %add3A, %broadcast_in_dim3A_379 : vector<64x128xi1>, vector<64x128xi32>
      %slice3A_380 = vector.extract_strided_slice %select_n3A {offsets = [0, 0], sizes = [32, 128], strides = [1, 1]} : vector<64x128xi32> to vector<32x128xi32>
      %slice3A_381 = vector.extract_strided_slice %select_n3A {offsets = [32, 0], sizes = [32, 128], strides = [1, 1]} : vector<64x128xi32> to vector<32x128xi32>
      %min3A_382 = arith.minsi %slice3A_380, %slice3A_381 : vector<32x128xi32>
      %slice3A_383 = vector.extract_strided_slice %min3A_382 {offsets = [0, 0], sizes = [16, 128], strides = [1, 1]} : vector<32x128xi32> to vector<16x128xi32>
      %slice3A_384 = vector.extract_strided_slice %min3A_382 {offsets = [16, 0], sizes = [16, 128], strides = [1, 1]} : vector<32x128xi32> to vector<16x128xi32>
      %min3A_385 = arith.minsi %slice3A_383, %slice3A_384 : vector<16x128xi32>
      %slice3A_386 = vector.extract_strided_slice %min3A_385 {offsets = [0, 0], sizes = [8, 128], strides = [1, 1]} : vector<16x128xi32> to vector<8x128xi32>
      %slice3A_387 = vector.extract_strided_slice %min3A_385 {offsets = [8, 0], sizes = [8, 128], strides = [1, 1]} : vector<16x128xi32> to vector<8x128xi32>
      %min3A_388 = arith.minsi %slice3A_386, %slice3A_387 : vector<8x128xi32>
      %eq3A_389 = vector.broadcast %broadcast_in_dim3A_365 : vector<1x1xf32> to vector<64x128xf32>
      %eq3A_390 = arith.cmpf oeq, %min3A_232, %eq3A_389 : vector<64x128xf32>
      %broadcast_in_dim3A_391 = vector.broadcast %scan3A : i32 to vector<64x128xi32>
      %select_n3A_392 = arith.select %eq3A_390, %add3A, %broadcast_in_dim3A_391 : vector<64x128xi1>, vector<64x128xi32>
      %slice3A_393 = vector.extract_strided_slice %select_n3A_392 {offsets = [0, 0], sizes = [32, 128], strides = [1, 1]} : vector<64x128xi32> to vector<32x128xi32>
      %slice3A_394 = vector.extract_strided_slice %select_n3A_392 {offsets = [32, 0], sizes = [32, 128], strides = [1, 1]} : vector<64x128xi32> to vector<32x128xi32>
      %min3A_395 = arith.minsi %slice3A_393, %slice3A_394 : vector<32x128xi32>
      %slice3A_396 = vector.extract_strided_slice %min3A_395 {offsets = [0, 0], sizes = [16, 128], strides = [1, 1]} : vector<32x128xi32> to vector<16x128xi32>
      %slice3A_397 = vector.extract_strided_slice %min3A_395 {offsets = [16, 0], sizes = [16, 128], strides = [1, 1]} : vector<32x128xi32> to vector<16x128xi32>
      %min3A_398 = arith.minsi %slice3A_396, %slice3A_397 : vector<16x128xi32>
      %slice3A_399 = vector.extract_strided_slice %min3A_398 {offsets = [0, 0], sizes = [8, 128], strides = [1, 1]} : vector<16x128xi32> to vector<8x128xi32>
      %slice3A_400 = vector.extract_strided_slice %min3A_398 {offsets = [8, 0], sizes = [8, 128], strides = [1, 1]} : vector<16x128xi32> to vector<8x128xi32>
      %min3A_401 = arith.minsi %slice3A_399, %slice3A_400 : vector<8x128xi32>
      %eq3A_402 = vector.broadcast %broadcast_in_dim3A_371 : vector<1x1xf32> to vector<64x128xf32>
      %eq3A_403 = arith.cmpf oeq, %min3A_273, %eq3A_402 : vector<64x128xf32>
      %broadcast_in_dim3A_404 = vector.broadcast %scan3A : i32 to vector<64x128xi32>
      %select_n3A_405 = arith.select %eq3A_403, %add3A, %broadcast_in_dim3A_404 : vector<64x128xi1>, vector<64x128xi32>
      %slice3A_406 = vector.extract_strided_slice %select_n3A_405 {offsets = [0, 0], sizes = [32, 128], strides = [1, 1]} : vector<64x128xi32> to vector<32x128xi32>
      %slice3A_407 = vector.extract_strided_slice %select_n3A_405 {offsets = [32, 0], sizes = [32, 128], strides = [1, 1]} : vector<64x128xi32> to vector<32x128xi32>
      %min3A_408 = arith.minsi %slice3A_406, %slice3A_407 : vector<32x128xi32>
      %slice3A_409 = vector.extract_strided_slice %min3A_408 {offsets = [0, 0], sizes = [16, 128], strides = [1, 1]} : vector<32x128xi32> to vector<16x128xi32>
      %slice3A_410 = vector.extract_strided_slice %min3A_408 {offsets = [16, 0], sizes = [16, 128], strides = [1, 1]} : vector<32x128xi32> to vector<16x128xi32>
      %min3A_411 = arith.minsi %slice3A_409, %slice3A_410 : vector<16x128xi32>
      %slice3A_412 = vector.extract_strided_slice %min3A_411 {offsets = [0, 0], sizes = [8, 128], strides = [1, 1]} : vector<16x128xi32> to vector<8x128xi32>
      %slice3A_413 = vector.extract_strided_slice %min3A_411 {offsets = [8, 0], sizes = [8, 128], strides = [1, 1]} : vector<16x128xi32> to vector<8x128xi32>
      %min3A_414 = arith.minsi %slice3A_412, %slice3A_413 : vector<8x128xi32>
      %eq3A_415 = vector.broadcast %broadcast_in_dim3A_377 : vector<1x1xf32> to vector<64x128xf32>
      %eq3A_416 = arith.cmpf oeq, %min3A_314, %eq3A_415 : vector<64x128xf32>
      %broadcast_in_dim3A_417 = vector.broadcast %scan3A : i32 to vector<64x128xi32>
      %select_n3A_418 = arith.select %eq3A_416, %add3A, %broadcast_in_dim3A_417 : vector<64x128xi1>, vector<64x128xi32>
      %slice3A_419 = vector.extract_strided_slice %select_n3A_418 {offsets = [0, 0], sizes = [32, 128], strides = [1, 1]} : vector<64x128xi32> to vector<32x128xi32>
      %slice3A_420 = vector.extract_strided_slice %select_n3A_418 {offsets = [32, 0], sizes = [32, 128], strides = [1, 1]} : vector<64x128xi32> to vector<32x128xi32>
      %min3A_421 = arith.minsi %slice3A_419, %slice3A_420 : vector<32x128xi32>
      %slice3A_422 = vector.extract_strided_slice %min3A_421 {offsets = [0, 0], sizes = [16, 128], strides = [1, 1]} : vector<32x128xi32> to vector<16x128xi32>
      %slice3A_423 = vector.extract_strided_slice %min3A_421 {offsets = [16, 0], sizes = [16, 128], strides = [1, 1]} : vector<32x128xi32> to vector<16x128xi32>
      %min3A_424 = arith.minsi %slice3A_422, %slice3A_423 : vector<16x128xi32>
      %slice3A_425 = vector.extract_strided_slice %min3A_424 {offsets = [0, 0], sizes = [8, 128], strides = [1, 1]} : vector<16x128xi32> to vector<8x128xi32>
      %slice3A_426 = vector.extract_strided_slice %min3A_424 {offsets = [8, 0], sizes = [8, 128], strides = [1, 1]} : vector<16x128xi32> to vector<8x128xi32>
      %min3A_427 = arith.minsi %slice3A_425, %slice3A_426 : vector<8x128xi32>
      %reduce_min3A = vector.shape_cast %min3A_388 : vector<8x128xi32> to vector<1x8x128xi32>
      %reduce_min3A_428 = arith.constant dense<2147483647> : vector<1xi32>
      %reduce_min3A_429 = vector.multi_reduction <minsi>, %reduce_min3A, %reduce_min3A_428 [1, 2] : vector<1x8x128xi32> to vector<1xi32>
      %reduce_min3A_430 = vector.shape_cast %reduce_min3A_429 : vector<1xi32> to vector<1x1x1xi32>
      %reduce_min3A_431 = vector.extract %reduce_min3A_430[0, 0, 0] : i32 from vector<1x1x1xi32>
      %reduce_min3A_432 = vector.shape_cast %min3A_401 : vector<8x128xi32> to vector<1x8x128xi32>
      %reduce_min3A_433 = arith.constant dense<2147483647> : vector<1xi32>
      %reduce_min3A_434 = vector.multi_reduction <minsi>, %reduce_min3A_432, %reduce_min3A_433 [1, 2] : vector<1x8x128xi32> to vector<1xi32>
      %reduce_min3A_435 = vector.shape_cast %reduce_min3A_434 : vector<1xi32> to vector<1x1x1xi32>
      %reduce_min3A_436 = vector.extract %reduce_min3A_435[0, 0, 0] : i32 from vector<1x1x1xi32>
      %reduce_min3A_437 = vector.shape_cast %min3A_414 : vector<8x128xi32> to vector<1x8x128xi32>
      %reduce_min3A_438 = arith.constant dense<2147483647> : vector<1xi32>
      %reduce_min3A_439 = vector.multi_reduction <minsi>, %reduce_min3A_437, %reduce_min3A_438 [1, 2] : vector<1x8x128xi32> to vector<1xi32>
      %reduce_min3A_440 = vector.shape_cast %reduce_min3A_439 : vector<1xi32> to vector<1x1x1xi32>
      %reduce_min3A_441 = vector.extract %reduce_min3A_440[0, 0, 0] : i32 from vector<1x1x1xi32>
      %reduce_min3A_442 = vector.shape_cast %min3A_427 : vector<8x128xi32> to vector<1x8x128xi32>
      %reduce_min3A_443 = arith.constant dense<2147483647> : vector<1xi32>
      %reduce_min3A_444 = vector.multi_reduction <minsi>, %reduce_min3A_442, %reduce_min3A_443 [1, 2] : vector<1x8x128xi32> to vector<1xi32>
      %reduce_min3A_445 = vector.shape_cast %reduce_min3A_444 : vector<1xi32> to vector<1x1x1xi32>
      %reduce_min3A_446 = vector.extract %reduce_min3A_445[0, 0, 0] : i32 from vector<1x1x1xi32>
      scf.yield %reduce_min3A_431, %reduce_min3A_436, %reduce_min3A_441, %reduce_min3A_446 : i32, i32, i32, i32
    }
    %scan3A_42 = arith.constant 2048 : i32
    return
  }
  func.func @transform_0(%arg0: i32) -> (i32, i32, i32, i32) {
    %c0_i32 = arith.constant 0 : i32
    %c0_i32_0 = arith.constant 0 : i32
    %c0_i32_1 = arith.constant 0 : i32
    %c0_i32_2 = arith.constant 0 : i32
    %c0_i32_3 = arith.constant 0 : i32
    return %c0_i32, %c0_i32_0, %c0_i32_1, %c0_i32_2 : i32, i32, i32, i32
  }
  func.func @transform_1(%arg0: i32) -> (i32, i32, i32) {
    %c0_i32 = arith.constant 0 : i32
    %c0_i32_0 = arith.constant 0 : i32
    %c0_i32_1 = arith.constant 0 : i32
    %c0_i32_2 = arith.constant 0 : i32
    return %c0_i32, %c0_i32_0, %c0_i32_1 : i32, i32, i32
  }
  func.func @transform_2(%arg0: i32) -> (i32, i32, i32) {
    %c0_i32 = arith.constant 0 : i32
    %c0_i32_0 = arith.constant 0 : i32
    %c0_i32_1 = arith.constant 0 : i32
    %c0_i32_2 = arith.constant 0 : i32
    return %c0_i32, %c0_i32_0, %c0_i32_1 : i32, i32, i32
  }
  func.func @transform_3(%arg0: i32) -> (i32, i32, i32) {
    %c0_i32 = arith.constant 0 : i32
    %c0_i32_0 = arith.constant 0 : i32
    %c0_i32_1 = arith.constant 0 : i32
    %c0_i32_2 = arith.constant 0 : i32
    return %c0_i32, %c0_i32_0, %c0_i32_1 : i32, i32, i32
  }
}

module attributes {stable_mosaic.version = 14 : i64} {
  func.func @_knn_body(%arg0: i32, %arg1: i32, %arg2: memref<1x8x8192xf32, #tpu.memory_space<vmem>>, %arg3: memref<1x128x8xf32, #tpu.memory_space<vmem>>, %arg4: memref<1x128x20xi32, #tpu.memory_space<vmem>>, %arg5: memref<128x8192xf32, #tpu.memory_space<vmem>>) attributes {dimension_semantics = [#tpu.dimension_semantics<arbitrary>, #tpu.dimension_semantics<arbitrary>], iteration_bounds = array<i64: 4, 16>, scalar_prefetch = 0 : i64, scratch_operands = 1 : i64, tpu.core_type = #tpu.core_type<tc>, window_params = [{transform_indices = @transform_0, window_bounds = array<i64: 1, 8, 8192>}, {transform_indices = @transform_1, window_bounds = array<i64: 1, 128, 8>}, {transform_indices = @transform_2, window_bounds = array<i64: 1, 128, 20>}]} {
    %get3A = arith.constant 0 : index
    %get3A_0 = arith.constant 0 : index
    %get3A_1 = arith.constant 0 : index
    %get3A_2 = vector.load %arg2[%get3A, %get3A_0, %get3A_1] : memref<1x8x8192xf32, #tpu.memory_space<vmem>>, vector<1x8x8192xf32>
    %get3A_3 = vector.shape_cast %get3A_2 : vector<1x8x8192xf32> to vector<8x8192xf32>
    %get3A_4 = arith.constant 0 : index
    %get3A_5 = arith.constant 0 : index
    %get3A_6 = arith.constant 0 : index
    %get3A_7 = vector.load %arg3[%get3A_4, %get3A_5, %get3A_6] : memref<1x128x8xf32, #tpu.memory_space<vmem>>, vector<1x128x8xf32>
    %get3A_8 = vector.shape_cast %get3A_7 : vector<1x128x8xf32> to vector<128x8xf32>
    %slice3A = vector.extract_strided_slice %get3A_3 {offsets = [0, 0], sizes = [1, 8192], strides = [1, 1]} : vector<8x8192xf32> to vector<1x8192xf32>
    %slice3A_9 = vector.extract_strided_slice %get3A_3 {offsets = [1, 0], sizes = [1, 8192], strides = [1, 1]} : vector<8x8192xf32> to vector<1x8192xf32>
    %slice3A_10 = vector.extract_strided_slice %get3A_3 {offsets = [2, 0], sizes = [1, 8192], strides = [1, 1]} : vector<8x8192xf32> to vector<1x8192xf32>
    %slice3A_11 = vector.extract_strided_slice %get3A_8 {offsets = [0, 0], sizes = [128, 1], strides = [1, 1]} : vector<128x8xf32> to vector<128x1xf32>
    %slice3A_12 = vector.extract_strided_slice %get3A_8 {offsets = [0, 1], sizes = [128, 1], strides = [1, 1]} : vector<128x8xf32> to vector<128x1xf32>
    %slice3A_13 = vector.extract_strided_slice %get3A_8 {offsets = [0, 2], sizes = [128, 1], strides = [1, 1]} : vector<128x8xf32> to vector<128x1xf32>
    %mul3A = arith.mulf %slice3A, %slice3A : vector<1x8192xf32>
    %mul3A_14 = arith.mulf %slice3A_9, %slice3A_9 : vector<1x8192xf32>
    %add3A = arith.addf %mul3A, %mul3A_14 : vector<1x8192xf32>
    %mul3A_15 = arith.mulf %slice3A_10, %slice3A_10 : vector<1x8192xf32>
    %add3A_16 = arith.addf %add3A, %mul3A_15 : vector<1x8192xf32>
    %mul3A_17 = arith.mulf %slice3A_11, %slice3A_11 : vector<128x1xf32>
    %mul3A_18 = arith.mulf %slice3A_12, %slice3A_12 : vector<128x1xf32>
    %add3A_19 = arith.addf %mul3A_17, %mul3A_18 : vector<128x1xf32>
    %mul3A_20 = arith.mulf %slice3A_13, %slice3A_13 : vector<128x1xf32>
    %add3A_21 = arith.addf %add3A_19, %mul3A_20 : vector<128x1xf32>
    %convert_element_type3A = arith.truncf %slice3A : vector<1x8192xf32> to vector<1x8192xbf16>
    %convert_element_type3A_22 = arith.extf %convert_element_type3A : vector<1x8192xbf16> to vector<1x8192xf32>
    %convert_element_type3A_23 = arith.truncf %slice3A_9 : vector<1x8192xf32> to vector<1x8192xbf16>
    %convert_element_type3A_24 = arith.extf %convert_element_type3A_23 : vector<1x8192xbf16> to vector<1x8192xf32>
    %convert_element_type3A_25 = arith.truncf %slice3A_10 : vector<1x8192xf32> to vector<1x8192xbf16>
    %convert_element_type3A_26 = arith.extf %convert_element_type3A_25 : vector<1x8192xbf16> to vector<1x8192xf32>
    %convert_element_type3A_27 = arith.truncf %slice3A_11 : vector<128x1xf32> to vector<128x1xbf16>
    %convert_element_type3A_28 = arith.extf %convert_element_type3A_27 : vector<128x1xbf16> to vector<128x1xf32>
    %convert_element_type3A_29 = arith.truncf %slice3A_12 : vector<128x1xf32> to vector<128x1xbf16>
    %convert_element_type3A_30 = arith.extf %convert_element_type3A_29 : vector<128x1xbf16> to vector<128x1xf32>
    %convert_element_type3A_31 = arith.truncf %slice3A_13 : vector<128x1xf32> to vector<128x1xbf16>
    %convert_element_type3A_32 = arith.extf %convert_element_type3A_31 : vector<128x1xbf16> to vector<128x1xf32>
    %mul3A_33 = vector.broadcast %convert_element_type3A_28 : vector<128x1xf32> to vector<128x8192xf32>
    %mul3A_34 = vector.broadcast %convert_element_type3A_22 : vector<1x8192xf32> to vector<128x8192xf32>
    %mul3A_35 = arith.mulf %mul3A_33, %mul3A_34 : vector<128x8192xf32>
    %mul3A_36 = vector.broadcast %convert_element_type3A_30 : vector<128x1xf32> to vector<128x8192xf32>
    %mul3A_37 = vector.broadcast %convert_element_type3A_24 : vector<1x8192xf32> to vector<128x8192xf32>
    %mul3A_38 = arith.mulf %mul3A_36, %mul3A_37 : vector<128x8192xf32>
    %add3A_39 = arith.addf %mul3A_35, %mul3A_38 : vector<128x8192xf32>
    %mul3A_40 = vector.broadcast %convert_element_type3A_32 : vector<128x1xf32> to vector<128x8192xf32>
    %mul3A_41 = vector.broadcast %convert_element_type3A_26 : vector<1x8192xf32> to vector<128x8192xf32>
    %mul3A_42 = arith.mulf %mul3A_40, %mul3A_41 : vector<128x8192xf32>
    %add3A_43 = arith.addf %add3A_39, %mul3A_42 : vector<128x8192xf32>
    %add3A_44 = vector.broadcast %add3A_21 : vector<128x1xf32> to vector<128x8192xf32>
    %add3A_45 = vector.broadcast %add3A_16 : vector<1x8192xf32> to vector<128x8192xf32>
    %add3A_46 = arith.addf %add3A_44, %add3A_45 : vector<128x8192xf32>
    %mul3A_47 = arith.constant 2.000000e+00 : f32
    %mul3A_48 = vector.broadcast %mul3A_47 : f32 to vector<128x8192xf32>
    %mul3A_49 = arith.mulf %mul3A_48, %add3A_43 : vector<128x8192xf32>
    %sub3A = arith.subf %add3A_46, %mul3A_49 : vector<128x8192xf32>
    %swap3A = arith.constant 0 : index
    %swap3A_50 = arith.constant 0 : index
    %swap3A_51 = vector.load %arg5[%swap3A, %swap3A_50] : memref<128x8192xf32, #tpu.memory_space<vmem>>, vector<128x8192xf32>
    tpu.vector_store %arg5[%swap3A, %swap3A_50], %sub3A {strides = array<i32>} : memref<128x8192xf32, #tpu.memory_space<vmem>>, vector<128x8192xf32>,
    %iota3A = tpu.iota {dimensions = array<i32: 1>} : vector<128x8192xi32>
    %get3A_52 = arith.constant 0 : index
    %get3A_53 = arith.constant 0 : index
    %get3A_54 = vector.load %arg5[%get3A_52, %get3A_53] : memref<128x8192xf32, #tpu.memory_space<vmem>>, vector<128x8192xf32>
    %reduce_min3A = arith.constant dense<0x7F800000> : vector<128xf32>
    %reduce_min3A_55 = vector.multi_reduction <minimumf>, %get3A_54, %reduce_min3A [1] : vector<128x8192xf32> to vector<128xf32>
    %broadcast_in_dim3A = vector.shape_cast %reduce_min3A_55 : vector<128xf32> to vector<128x1xf32>
    %eq3A = vector.broadcast %broadcast_in_dim3A : vector<128x1xf32> to vector<128x8192xf32>
    %eq3A_56 = arith.cmpf oeq, %get3A_54, %eq3A : vector<128x8192xf32>
    %jit3A = arith.constant 1073741824 : i32
    %broadcast_in_dim3A_57 = vector.broadcast %jit3A : i32 to vector<128x8192xi32>
    %select_n3A = arith.select %eq3A_56, %iota3A, %broadcast_in_dim3A_57 : vector<128x8192xi1>, vector<128x8192xi32>
    %reduce_min3A_58 = arith.constant dense<2147483647> : vector<128xi32>
    %reduce_min3A_59 = vector.multi_reduction <minsi>, %select_n3A, %reduce_min3A_58 [1] : vector<128x8192xi32> to vector<128xi32>
    %broadcast_in_dim3A_60 = vector.shape_cast %reduce_min3A_59 : vector<128xi32> to vector<128x1xi32>
    %swap3A_61 = arith.constant 0 : index
    %swap3A_62 = arith.constant 0 : index
    %swap3A_63 = arith.constant 0 : index
    %swap3A_64 = vector.load %arg4[%swap3A_61, %swap3A_62, %swap3A_63] : memref<1x128x20xi32, #tpu.memory_space<vmem>>, vector<1x128x1xi32>
    %swap3A_65 = vector.shape_cast %swap3A_64 : vector<1x128x1xi32> to vector<128x1xi32>
    %swap3A_66 = vector.shape_cast %broadcast_in_dim3A_60 : vector<128x1xi32> to vector<1x128x1xi32>
    tpu.vector_store %arg4[%swap3A_61, %swap3A_62, %swap3A_63], %swap3A_66 {strides = array<i32>} : memref<1x128x20xi32, #tpu.memory_space<vmem>>, vector<1x128x1xi32>,
    %eq3A_67 = vector.broadcast %broadcast_in_dim3A_60 : vector<128x1xi32> to vector<128x8192xi32>
    %eq3A_68 = arith.cmpi eq, %iota3A, %eq3A_67 : vector<128x8192xi32>
    %jit3A_69 = arith.constant 3.000000e+38 : f32
    %broadcast_in_dim3A_70 = vector.broadcast %jit3A_69 : f32 to vector<128x8192xf32>
    %select_n3A_71 = arith.select %eq3A_68, %broadcast_in_dim3A_70, %get3A_54 : vector<128x8192xi1>, vector<128x8192xf32>
    %swap3A_72 = arith.constant 0 : index
    %swap3A_73 = arith.constant 0 : index
    %swap3A_74 = vector.load %arg5[%swap3A_72, %swap3A_73] : memref<128x8192xf32, #tpu.memory_space<vmem>>, vector<128x8192xf32>
    tpu.vector_store %arg5[%swap3A_72, %swap3A_73], %select_n3A_71 {strides = array<i32>} : memref<128x8192xf32, #tpu.memory_space<vmem>>, vector<128x8192xf32>,
    %get3A_75 = arith.constant 0 : index
    %get3A_76 = arith.constant 0 : index
    %get3A_77 = vector.load %arg5[%get3A_75, %get3A_76] : memref<128x8192xf32, #tpu.memory_space<vmem>>, vector<128x8192xf32>
    %reduce_min3A_78 = arith.constant dense<0x7F800000> : vector<128xf32>
    %reduce_min3A_79 = vector.multi_reduction <minimumf>, %get3A_77, %reduce_min3A_78 [1] : vector<128x8192xf32> to vector<128xf32>
    %broadcast_in_dim3A_80 = vector.shape_cast %reduce_min3A_79 : vector<128xf32> to vector<128x1xf32>
    %eq3A_81 = vector.broadcast %broadcast_in_dim3A_80 : vector<128x1xf32> to vector<128x8192xf32>
    %eq3A_82 = arith.cmpf oeq, %get3A_77, %eq3A_81 : vector<128x8192xf32>
    %jit3A_83 = arith.constant 1073741824 : i32
    %broadcast_in_dim3A_84 = vector.broadcast %jit3A_83 : i32 to vector<128x8192xi32>
    %select_n3A_85 = arith.select %eq3A_82, %iota3A, %broadcast_in_dim3A_84 : vector<128x8192xi1>, vector<128x8192xi32>
    %reduce_min3A_86 = arith.constant dense<2147483647> : vector<128xi32>
    %reduce_min3A_87 = vector.multi_reduction <minsi>, %select_n3A_85, %reduce_min3A_86 [1] : vector<128x8192xi32> to vector<128xi32>
    %broadcast_in_dim3A_88 = vector.shape_cast %reduce_min3A_87 : vector<128xi32> to vector<128x1xi32>
    %swap3A_89 = arith.constant 0 : index
    %swap3A_90 = arith.constant 0 : index
    %swap3A_91 = arith.constant 1 : index
    %swap3A_92 = vector.load %arg4[%swap3A_89, %swap3A_90, %swap3A_91] : memref<1x128x20xi32, #tpu.memory_space<vmem>>, vector<1x128x1xi32>
    %swap3A_93 = vector.shape_cast %swap3A_92 : vector<1x128x1xi32> to vector<128x1xi32>
    %swap3A_94 = vector.shape_cast %broadcast_in_dim3A_88 : vector<128x1xi32> to vector<1x128x1xi32>
    tpu.vector_store %arg4[%swap3A_89, %swap3A_90, %swap3A_91], %swap3A_94 {strides = array<i32>} : memref<1x128x20xi32, #tpu.memory_space<vmem>>, vector<1x128x1xi32>,
    %eq3A_95 = vector.broadcast %broadcast_in_dim3A_88 : vector<128x1xi32> to vector<128x8192xi32>
    %eq3A_96 = arith.cmpi eq, %iota3A, %eq3A_95 : vector<128x8192xi32>
    %jit3A_97 = arith.constant 3.000000e+38 : f32
    %broadcast_in_dim3A_98 = vector.broadcast %jit3A_97 : f32 to vector<128x8192xf32>
    %select_n3A_99 = arith.select %eq3A_96, %broadcast_in_dim3A_98, %get3A_77 : vector<128x8192xi1>, vector<128x8192xf32>
    %swap3A_100 = arith.constant 0 : index
    %swap3A_101 = arith.constant 0 : index
    %swap3A_102 = vector.load %arg5[%swap3A_100, %swap3A_101] : memref<128x8192xf32, #tpu.memory_space<vmem>>, vector<128x8192xf32>
    tpu.vector_store %arg5[%swap3A_100, %swap3A_101], %select_n3A_99 {strides = array<i32>} : memref<128x8192xf32, #tpu.memory_space<vmem>>, vector<128x8192xf32>,
    %get3A_103 = arith.constant 0 : index
    %get3A_104 = arith.constant 0 : index
    %get3A_105 = vector.load %arg5[%get3A_103, %get3A_104] : memref<128x8192xf32, #tpu.memory_space<vmem>>, vector<128x8192xf32>
    %reduce_min3A_106 = arith.constant dense<0x7F800000> : vector<128xf32>
    %reduce_min3A_107 = vector.multi_reduction <minimumf>, %get3A_105, %reduce_min3A_106 [1] : vector<128x8192xf32> to vector<128xf32>
    %broadcast_in_dim3A_108 = vector.shape_cast %reduce_min3A_107 : vector<128xf32> to vector<128x1xf32>
    %eq3A_109 = vector.broadcast %broadcast_in_dim3A_108 : vector<128x1xf32> to vector<128x8192xf32>
    %eq3A_110 = arith.cmpf oeq, %get3A_105, %eq3A_109 : vector<128x8192xf32>
    %jit3A_111 = arith.constant 1073741824 : i32
    %broadcast_in_dim3A_112 = vector.broadcast %jit3A_111 : i32 to vector<128x8192xi32>
    %select_n3A_113 = arith.select %eq3A_110, %iota3A, %broadcast_in_dim3A_112 : vector<128x8192xi1>, vector<128x8192xi32>
    %reduce_min3A_114 = arith.constant dense<2147483647> : vector<128xi32>
    %reduce_min3A_115 = vector.multi_reduction <minsi>, %select_n3A_113, %reduce_min3A_114 [1] : vector<128x8192xi32> to vector<128xi32>
    %broadcast_in_dim3A_116 = vector.shape_cast %reduce_min3A_115 : vector<128xi32> to vector<128x1xi32>
    %swap3A_117 = arith.constant 0 : index
    %swap3A_118 = arith.constant 0 : index
    %swap3A_119 = arith.constant 2 : index
    %swap3A_120 = vector.load %arg4[%swap3A_117, %swap3A_118, %swap3A_119] : memref<1x128x20xi32, #tpu.memory_space<vmem>>, vector<1x128x1xi32>
    %swap3A_121 = vector.shape_cast %swap3A_120 : vector<1x128x1xi32> to vector<128x1xi32>
    %swap3A_122 = vector.shape_cast %broadcast_in_dim3A_116 : vector<128x1xi32> to vector<1x128x1xi32>
    tpu.vector_store %arg4[%swap3A_117, %swap3A_118, %swap3A_119], %swap3A_122 {strides = array<i32>} : memref<1x128x20xi32, #tpu.memory_space<vmem>>, vector<1x128x1xi32>,
    %eq3A_123 = vector.broadcast %broadcast_in_dim3A_116 : vector<128x1xi32> to vector<128x8192xi32>
    %eq3A_124 = arith.cmpi eq, %iota3A, %eq3A_123 : vector<128x8192xi32>
    %jit3A_125 = arith.constant 3.000000e+38 : f32
    %broadcast_in_dim3A_126 = vector.broadcast %jit3A_125 : f32 to vector<128x8192xf32>
    %select_n3A_127 = arith.select %eq3A_124, %broadcast_in_dim3A_126, %get3A_105 : vector<128x8192xi1>, vector<128x8192xf32>
    %swap3A_128 = arith.constant 0 : index
    %swap3A_129 = arith.constant 0 : index
    %swap3A_130 = vector.load %arg5[%swap3A_128, %swap3A_129] : memref<128x8192xf32, #tpu.memory_space<vmem>>, vector<128x8192xf32>
    tpu.vector_store %arg5[%swap3A_128, %swap3A_129], %select_n3A_127 {strides = array<i32>} : memref<128x8192xf32, #tpu.memory_space<vmem>>, vector<128x8192xf32>,
    %get3A_131 = arith.constant 0 : index
    %get3A_132 = arith.constant 0 : index
    %get3A_133 = vector.load %arg5[%get3A_131, %get3A_132] : memref<128x8192xf32, #tpu.memory_space<vmem>>, vector<128x8192xf32>
    %reduce_min3A_134 = arith.constant dense<0x7F800000> : vector<128xf32>
    %reduce_min3A_135 = vector.multi_reduction <minimumf>, %get3A_133, %reduce_min3A_134 [1] : vector<128x8192xf32> to vector<128xf32>
    %broadcast_in_dim3A_136 = vector.shape_cast %reduce_min3A_135 : vector<128xf32> to vector<128x1xf32>
    %eq3A_137 = vector.broadcast %broadcast_in_dim3A_136 : vector<128x1xf32> to vector<128x8192xf32>
    %eq3A_138 = arith.cmpf oeq, %get3A_133, %eq3A_137 : vector<128x8192xf32>
    %jit3A_139 = arith.constant 1073741824 : i32
    %broadcast_in_dim3A_140 = vector.broadcast %jit3A_139 : i32 to vector<128x8192xi32>
    %select_n3A_141 = arith.select %eq3A_138, %iota3A, %broadcast_in_dim3A_140 : vector<128x8192xi1>, vector<128x8192xi32>
    %reduce_min3A_142 = arith.constant dense<2147483647> : vector<128xi32>
    %reduce_min3A_143 = vector.multi_reduction <minsi>, %select_n3A_141, %reduce_min3A_142 [1] : vector<128x8192xi32> to vector<128xi32>
    %broadcast_in_dim3A_144 = vector.shape_cast %reduce_min3A_143 : vector<128xi32> to vector<128x1xi32>
    %swap3A_145 = arith.constant 0 : index
    %swap3A_146 = arith.constant 0 : index
    %swap3A_147 = arith.constant 3 : index
    %swap3A_148 = vector.load %arg4[%swap3A_145, %swap3A_146, %swap3A_147] : memref<1x128x20xi32, #tpu.memory_space<vmem>>, vector<1x128x1xi32>
    %swap3A_149 = vector.shape_cast %swap3A_148 : vector<1x128x1xi32> to vector<128x1xi32>
    %swap3A_150 = vector.shape_cast %broadcast_in_dim3A_144 : vector<128x1xi32> to vector<1x128x1xi32>
    tpu.vector_store %arg4[%swap3A_145, %swap3A_146, %swap3A_147], %swap3A_150 {strides = array<i32>} : memref<1x128x20xi32, #tpu.memory_space<vmem>>, vector<1x128x1xi32>,
    %eq3A_151 = vector.broadcast %broadcast_in_dim3A_144 : vector<128x1xi32> to vector<128x8192xi32>
    %eq3A_152 = arith.cmpi eq, %iota3A, %eq3A_151 : vector<128x8192xi32>
    %jit3A_153 = arith.constant 3.000000e+38 : f32
    %broadcast_in_dim3A_154 = vector.broadcast %jit3A_153 : f32 to vector<128x8192xf32>
    %select_n3A_155 = arith.select %eq3A_152, %broadcast_in_dim3A_154, %get3A_133 : vector<128x8192xi1>, vector<128x8192xf32>
    %swap3A_156 = arith.constant 0 : index
    %swap3A_157 = arith.constant 0 : index
    %swap3A_158 = vector.load %arg5[%swap3A_156, %swap3A_157] : memref<128x8192xf32, #tpu.memory_space<vmem>>, vector<128x8192xf32>
    tpu.vector_store %arg5[%swap3A_156, %swap3A_157], %select_n3A_155 {strides = array<i32>} : memref<128x8192xf32, #tpu.memory_space<vmem>>, vector<128x8192xf32>,
    %get3A_159 = arith.constant 0 : index
    %get3A_160 = arith.constant 0 : index
    %get3A_161 = vector.load %arg5[%get3A_159, %get3A_160] : memref<128x8192xf32, #tpu.memory_space<vmem>>, vector<128x8192xf32>
    %reduce_min3A_162 = arith.constant dense<0x7F800000> : vector<128xf32>
    %reduce_min3A_163 = vector.multi_reduction <minimumf>, %get3A_161, %reduce_min3A_162 [1] : vector<128x8192xf32> to vector<128xf32>
    %broadcast_in_dim3A_164 = vector.shape_cast %reduce_min3A_163 : vector<128xf32> to vector<128x1xf32>
    %eq3A_165 = vector.broadcast %broadcast_in_dim3A_164 : vector<128x1xf32> to vector<128x8192xf32>
    %eq3A_166 = arith.cmpf oeq, %get3A_161, %eq3A_165 : vector<128x8192xf32>
    %jit3A_167 = arith.constant 1073741824 : i32
    %broadcast_in_dim3A_168 = vector.broadcast %jit3A_167 : i32 to vector<128x8192xi32>
    %select_n3A_169 = arith.select %eq3A_166, %iota3A, %broadcast_in_dim3A_168 : vector<128x8192xi1>, vector<128x8192xi32>
    %reduce_min3A_170 = arith.constant dense<2147483647> : vector<128xi32>
    %reduce_min3A_171 = vector.multi_reduction <minsi>, %select_n3A_169, %reduce_min3A_170 [1] : vector<128x8192xi32> to vector<128xi32>
    %broadcast_in_dim3A_172 = vector.shape_cast %reduce_min3A_171 : vector<128xi32> to vector<128x1xi32>
    %swap3A_173 = arith.constant 0 : index
    %swap3A_174 = arith.constant 0 : index
    %swap3A_175 = arith.constant 4 : index
    %swap3A_176 = vector.load %arg4[%swap3A_173, %swap3A_174, %swap3A_175] : memref<1x128x20xi32, #tpu.memory_space<vmem>>, vector<1x128x1xi32>
    %swap3A_177 = vector.shape_cast %swap3A_176 : vector<1x128x1xi32> to vector<128x1xi32>
    %swap3A_178 = vector.shape_cast %broadcast_in_dim3A_172 : vector<128x1xi32> to vector<1x128x1xi32>
    tpu.vector_store %arg4[%swap3A_173, %swap3A_174, %swap3A_175], %swap3A_178 {strides = array<i32>} : memref<1x128x20xi32, #tpu.memory_space<vmem>>, vector<1x128x1xi32>,
    %eq3A_179 = vector.broadcast %broadcast_in_dim3A_172 : vector<128x1xi32> to vector<128x8192xi32>
    %eq3A_180 = arith.cmpi eq, %iota3A, %eq3A_179 : vector<128x8192xi32>
    %jit3A_181 = arith.constant 3.000000e+38 : f32
    %broadcast_in_dim3A_182 = vector.broadcast %jit3A_181 : f32 to vector<128x8192xf32>
    %select_n3A_183 = arith.select %eq3A_180, %broadcast_in_dim3A_182, %get3A_161 : vector<128x8192xi1>, vector<128x8192xf32>
    %swap3A_184 = arith.constant 0 : index
    %swap3A_185 = arith.constant 0 : index
    %swap3A_186 = vector.load %arg5[%swap3A_184, %swap3A_185] : memref<128x8192xf32, #tpu.memory_space<vmem>>, vector<128x8192xf32>
    tpu.vector_store %arg5[%swap3A_184, %swap3A_185], %select_n3A_183 {strides = array<i32>} : memref<128x8192xf32, #tpu.memory_space<vmem>>, vector<128x8192xf32>,
    %get3A_187 = arith.constant 0 : index
    %get3A_188 = arith.constant 0 : index
    %get3A_189 = vector.load %arg5[%get3A_187, %get3A_188] : memref<128x8192xf32, #tpu.memory_space<vmem>>, vector<128x8192xf32>
    %reduce_min3A_190 = arith.constant dense<0x7F800000> : vector<128xf32>
    %reduce_min3A_191 = vector.multi_reduction <minimumf>, %get3A_189, %reduce_min3A_190 [1] : vector<128x8192xf32> to vector<128xf32>
    %broadcast_in_dim3A_192 = vector.shape_cast %reduce_min3A_191 : vector<128xf32> to vector<128x1xf32>
    %eq3A_193 = vector.broadcast %broadcast_in_dim3A_192 : vector<128x1xf32> to vector<128x8192xf32>
    %eq3A_194 = arith.cmpf oeq, %get3A_189, %eq3A_193 : vector<128x8192xf32>
    %jit3A_195 = arith.constant 1073741824 : i32
    %broadcast_in_dim3A_196 = vector.broadcast %jit3A_195 : i32 to vector<128x8192xi32>
    %select_n3A_197 = arith.select %eq3A_194, %iota3A, %broadcast_in_dim3A_196 : vector<128x8192xi1>, vector<128x8192xi32>
    %reduce_min3A_198 = arith.constant dense<2147483647> : vector<128xi32>
    %reduce_min3A_199 = vector.multi_reduction <minsi>, %select_n3A_197, %reduce_min3A_198 [1] : vector<128x8192xi32> to vector<128xi32>
    %broadcast_in_dim3A_200 = vector.shape_cast %reduce_min3A_199 : vector<128xi32> to vector<128x1xi32>
    %swap3A_201 = arith.constant 0 : index
    %swap3A_202 = arith.constant 0 : index
    %swap3A_203 = arith.constant 5 : index
    %swap3A_204 = vector.load %arg4[%swap3A_201, %swap3A_202, %swap3A_203] : memref<1x128x20xi32, #tpu.memory_space<vmem>>, vector<1x128x1xi32>
    %swap3A_205 = vector.shape_cast %swap3A_204 : vector<1x128x1xi32> to vector<128x1xi32>
    %swap3A_206 = vector.shape_cast %broadcast_in_dim3A_200 : vector<128x1xi32> to vector<1x128x1xi32>
    tpu.vector_store %arg4[%swap3A_201, %swap3A_202, %swap3A_203], %swap3A_206 {strides = array<i32>} : memref<1x128x20xi32, #tpu.memory_space<vmem>>, vector<1x128x1xi32>,
    %eq3A_207 = vector.broadcast %broadcast_in_dim3A_200 : vector<128x1xi32> to vector<128x8192xi32>
    %eq3A_208 = arith.cmpi eq, %iota3A, %eq3A_207 : vector<128x8192xi32>
    %jit3A_209 = arith.constant 3.000000e+38 : f32
    %broadcast_in_dim3A_210 = vector.broadcast %jit3A_209 : f32 to vector<128x8192xf32>
    %select_n3A_211 = arith.select %eq3A_208, %broadcast_in_dim3A_210, %get3A_189 : vector<128x8192xi1>, vector<128x8192xf32>
    %swap3A_212 = arith.constant 0 : index
    %swap3A_213 = arith.constant 0 : index
    %swap3A_214 = vector.load %arg5[%swap3A_212, %swap3A_213] : memref<128x8192xf32, #tpu.memory_space<vmem>>, vector<128x8192xf32>
    tpu.vector_store %arg5[%swap3A_212, %swap3A_213], %select_n3A_211 {strides = array<i32>} : memref<128x8192xf32, #tpu.memory_space<vmem>>, vector<128x8192xf32>,
    %get3A_215 = arith.constant 0 : index
    %get3A_216 = arith.constant 0 : index
    %get3A_217 = vector.load %arg5[%get3A_215, %get3A_216] : memref<128x8192xf32, #tpu.memory_space<vmem>>, vector<128x8192xf32>
    %reduce_min3A_218 = arith.constant dense<0x7F800000> : vector<128xf32>
    %reduce_min3A_219 = vector.multi_reduction <minimumf>, %get3A_217, %reduce_min3A_218 [1] : vector<128x8192xf32> to vector<128xf32>
    %broadcast_in_dim3A_220 = vector.shape_cast %reduce_min3A_219 : vector<128xf32> to vector<128x1xf32>
    %eq3A_221 = vector.broadcast %broadcast_in_dim3A_220 : vector<128x1xf32> to vector<128x8192xf32>
    %eq3A_222 = arith.cmpf oeq, %get3A_217, %eq3A_221 : vector<128x8192xf32>
    %jit3A_223 = arith.constant 1073741824 : i32
    %broadcast_in_dim3A_224 = vector.broadcast %jit3A_223 : i32 to vector<128x8192xi32>
    %select_n3A_225 = arith.select %eq3A_222, %iota3A, %broadcast_in_dim3A_224 : vector<128x8192xi1>, vector<128x8192xi32>
    %reduce_min3A_226 = arith.constant dense<2147483647> : vector<128xi32>
    %reduce_min3A_227 = vector.multi_reduction <minsi>, %select_n3A_225, %reduce_min3A_226 [1] : vector<128x8192xi32> to vector<128xi32>
    %broadcast_in_dim3A_228 = vector.shape_cast %reduce_min3A_227 : vector<128xi32> to vector<128x1xi32>
    %swap3A_229 = arith.constant 0 : index
    %swap3A_230 = arith.constant 0 : index
    %swap3A_231 = arith.constant 6 : index
    %swap3A_232 = vector.load %arg4[%swap3A_229, %swap3A_230, %swap3A_231] : memref<1x128x20xi32, #tpu.memory_space<vmem>>, vector<1x128x1xi32>
    %swap3A_233 = vector.shape_cast %swap3A_232 : vector<1x128x1xi32> to vector<128x1xi32>
    %swap3A_234 = vector.shape_cast %broadcast_in_dim3A_228 : vector<128x1xi32> to vector<1x128x1xi32>
    tpu.vector_store %arg4[%swap3A_229, %swap3A_230, %swap3A_231], %swap3A_234 {strides = array<i32>} : memref<1x128x20xi32, #tpu.memory_space<vmem>>, vector<1x128x1xi32>,
    %eq3A_235 = vector.broadcast %broadcast_in_dim3A_228 : vector<128x1xi32> to vector<128x8192xi32>
    %eq3A_236 = arith.cmpi eq, %iota3A, %eq3A_235 : vector<128x8192xi32>
    %jit3A_237 = arith.constant 3.000000e+38 : f32
    %broadcast_in_dim3A_238 = vector.broadcast %jit3A_237 : f32 to vector<128x8192xf32>
    %select_n3A_239 = arith.select %eq3A_236, %broadcast_in_dim3A_238, %get3A_217 : vector<128x8192xi1>, vector<128x8192xf32>
    %swap3A_240 = arith.constant 0 : index
    %swap3A_241 = arith.constant 0 : index
    %swap3A_242 = vector.load %arg5[%swap3A_240, %swap3A_241] : memref<128x8192xf32, #tpu.memory_space<vmem>>, vector<128x8192xf32>
    tpu.vector_store %arg5[%swap3A_240, %swap3A_241], %select_n3A_239 {strides = array<i32>} : memref<128x8192xf32, #tpu.memory_space<vmem>>, vector<128x8192xf32>,
    %get3A_243 = arith.constant 0 : index
    %get3A_244 = arith.constant 0 : index
    %get3A_245 = vector.load %arg5[%get3A_243, %get3A_244] : memref<128x8192xf32, #tpu.memory_space<vmem>>, vector<128x8192xf32>
    %reduce_min3A_246 = arith.constant dense<0x7F800000> : vector<128xf32>
    %reduce_min3A_247 = vector.multi_reduction <minimumf>, %get3A_245, %reduce_min3A_246 [1] : vector<128x8192xf32> to vector<128xf32>
    %broadcast_in_dim3A_248 = vector.shape_cast %reduce_min3A_247 : vector<128xf32> to vector<128x1xf32>
    %eq3A_249 = vector.broadcast %broadcast_in_dim3A_248 : vector<128x1xf32> to vector<128x8192xf32>
    %eq3A_250 = arith.cmpf oeq, %get3A_245, %eq3A_249 : vector<128x8192xf32>
    %jit3A_251 = arith.constant 1073741824 : i32
    %broadcast_in_dim3A_252 = vector.broadcast %jit3A_251 : i32 to vector<128x8192xi32>
    %select_n3A_253 = arith.select %eq3A_250, %iota3A, %broadcast_in_dim3A_252 : vector<128x8192xi1>, vector<128x8192xi32>
    %reduce_min3A_254 = arith.constant dense<2147483647> : vector<128xi32>
    %reduce_min3A_255 = vector.multi_reduction <minsi>, %select_n3A_253, %reduce_min3A_254 [1] : vector<128x8192xi32> to vector<128xi32>
    %broadcast_in_dim3A_256 = vector.shape_cast %reduce_min3A_255 : vector<128xi32> to vector<128x1xi32>
    %swap3A_257 = arith.constant 0 : index
    %swap3A_258 = arith.constant 0 : index
    %swap3A_259 = arith.constant 7 : index
    %swap3A_260 = vector.load %arg4[%swap3A_257, %swap3A_258, %swap3A_259] : memref<1x128x20xi32, #tpu.memory_space<vmem>>, vector<1x128x1xi32>
    %swap3A_261 = vector.shape_cast %swap3A_260 : vector<1x128x1xi32> to vector<128x1xi32>
    %swap3A_262 = vector.shape_cast %broadcast_in_dim3A_256 : vector<128x1xi32> to vector<1x128x1xi32>
    tpu.vector_store %arg4[%swap3A_257, %swap3A_258, %swap3A_259], %swap3A_262 {strides = array<i32>} : memref<1x128x20xi32, #tpu.memory_space<vmem>>, vector<1x128x1xi32>,
    %eq3A_263 = vector.broadcast %broadcast_in_dim3A_256 : vector<128x1xi32> to vector<128x8192xi32>
    %eq3A_264 = arith.cmpi eq, %iota3A, %eq3A_263 : vector<128x8192xi32>
    %jit3A_265 = arith.constant 3.000000e+38 : f32
    %broadcast_in_dim3A_266 = vector.broadcast %jit3A_265 : f32 to vector<128x8192xf32>
    %select_n3A_267 = arith.select %eq3A_264, %broadcast_in_dim3A_266, %get3A_245 : vector<128x8192xi1>, vector<128x8192xf32>
    %swap3A_268 = arith.constant 0 : index
    %swap3A_269 = arith.constant 0 : index
    %swap3A_270 = vector.load %arg5[%swap3A_268, %swap3A_269] : memref<128x8192xf32, #tpu.memory_space<vmem>>, vector<128x8192xf32>
    tpu.vector_store %arg5[%swap3A_268, %swap3A_269], %select_n3A_267 {strides = array<i32>} : memref<128x8192xf32, #tpu.memory_space<vmem>>, vector<128x8192xf32>,
    %get3A_271 = arith.constant 0 : index
    %get3A_272 = arith.constant 0 : index
    %get3A_273 = vector.load %arg5[%get3A_271, %get3A_272] : memref<128x8192xf32, #tpu.memory_space<vmem>>, vector<128x8192xf32>
    %reduce_min3A_274 = arith.constant dense<0x7F800000> : vector<128xf32>
    %reduce_min3A_275 = vector.multi_reduction <minimumf>, %get3A_273, %reduce_min3A_274 [1] : vector<128x8192xf32> to vector<128xf32>
    %broadcast_in_dim3A_276 = vector.shape_cast %reduce_min3A_275 : vector<128xf32> to vector<128x1xf32>
    %eq3A_277 = vector.broadcast %broadcast_in_dim3A_276 : vector<128x1xf32> to vector<128x8192xf32>
    %eq3A_278 = arith.cmpf oeq, %get3A_273, %eq3A_277 : vector<128x8192xf32>
    %jit3A_279 = arith.constant 1073741824 : i32
    %broadcast_in_dim3A_280 = vector.broadcast %jit3A_279 : i32 to vector<128x8192xi32>
    %select_n3A_281 = arith.select %eq3A_278, %iota3A, %broadcast_in_dim3A_280 : vector<128x8192xi1>, vector<128x8192xi32>
    %reduce_min3A_282 = arith.constant dense<2147483647> : vector<128xi32>
    %reduce_min3A_283 = vector.multi_reduction <minsi>, %select_n3A_281, %reduce_min3A_282 [1] : vector<128x8192xi32> to vector<128xi32>
    %broadcast_in_dim3A_284 = vector.shape_cast %reduce_min3A_283 : vector<128xi32> to vector<128x1xi32>
    %swap3A_285 = arith.constant 0 : index
    %swap3A_286 = arith.constant 0 : index
    %swap3A_287 = arith.constant 8 : index
    %swap3A_288 = vector.load %arg4[%swap3A_285, %swap3A_286, %swap3A_287] : memref<1x128x20xi32, #tpu.memory_space<vmem>>, vector<1x128x1xi32>
    %swap3A_289 = vector.shape_cast %swap3A_288 : vector<1x128x1xi32> to vector<128x1xi32>
    %swap3A_290 = vector.shape_cast %broadcast_in_dim3A_284 : vector<128x1xi32> to vector<1x128x1xi32>
    tpu.vector_store %arg4[%swap3A_285, %swap3A_286, %swap3A_287], %swap3A_290 {strides = array<i32>} : memref<1x128x20xi32, #tpu.memory_space<vmem>>, vector<1x128x1xi32>,
    %eq3A_291 = vector.broadcast %broadcast_in_dim3A_284 : vector<128x1xi32> to vector<128x8192xi32>
    %eq3A_292 = arith.cmpi eq, %iota3A, %eq3A_291 : vector<128x8192xi32>
    %jit3A_293 = arith.constant 3.000000e+38 : f32
    %broadcast_in_dim3A_294 = vector.broadcast %jit3A_293 : f32 to vector<128x8192xf32>
    %select_n3A_295 = arith.select %eq3A_292, %broadcast_in_dim3A_294, %get3A_273 : vector<128x8192xi1>, vector<128x8192xf32>
    %swap3A_296 = arith.constant 0 : index
    %swap3A_297 = arith.constant 0 : index
    %swap3A_298 = vector.load %arg5[%swap3A_296, %swap3A_297] : memref<128x8192xf32, #tpu.memory_space<vmem>>, vector<128x8192xf32>
    tpu.vector_store %arg5[%swap3A_296, %swap3A_297], %select_n3A_295 {strides = array<i32>} : memref<128x8192xf32, #tpu.memory_space<vmem>>, vector<128x8192xf32>,
    %get3A_299 = arith.constant 0 : index
    %get3A_300 = arith.constant 0 : index
    %get3A_301 = vector.load %arg5[%get3A_299, %get3A_300] : memref<128x8192xf32, #tpu.memory_space<vmem>>, vector<128x8192xf32>
    %reduce_min3A_302 = arith.constant dense<0x7F800000> : vector<128xf32>
    %reduce_min3A_303 = vector.multi_reduction <minimumf>, %get3A_301, %reduce_min3A_302 [1] : vector<128x8192xf32> to vector<128xf32>
    %broadcast_in_dim3A_304 = vector.shape_cast %reduce_min3A_303 : vector<128xf32> to vector<128x1xf32>
    %eq3A_305 = vector.broadcast %broadcast_in_dim3A_304 : vector<128x1xf32> to vector<128x8192xf32>
    %eq3A_306 = arith.cmpf oeq, %get3A_301, %eq3A_305 : vector<128x8192xf32>
    %jit3A_307 = arith.constant 1073741824 : i32
    %broadcast_in_dim3A_308 = vector.broadcast %jit3A_307 : i32 to vector<128x8192xi32>
    %select_n3A_309 = arith.select %eq3A_306, %iota3A, %broadcast_in_dim3A_308 : vector<128x8192xi1>, vector<128x8192xi32>
    %reduce_min3A_310 = arith.constant dense<2147483647> : vector<128xi32>
    %reduce_min3A_311 = vector.multi_reduction <minsi>, %select_n3A_309, %reduce_min3A_310 [1] : vector<128x8192xi32> to vector<128xi32>
    %broadcast_in_dim3A_312 = vector.shape_cast %reduce_min3A_311 : vector<128xi32> to vector<128x1xi32>
    %swap3A_313 = arith.constant 0 : index
    %swap3A_314 = arith.constant 0 : index
    %swap3A_315 = arith.constant 9 : index
    %swap3A_316 = vector.load %arg4[%swap3A_313, %swap3A_314, %swap3A_315] : memref<1x128x20xi32, #tpu.memory_space<vmem>>, vector<1x128x1xi32>
    %swap3A_317 = vector.shape_cast %swap3A_316 : vector<1x128x1xi32> to vector<128x1xi32>
    %swap3A_318 = vector.shape_cast %broadcast_in_dim3A_312 : vector<128x1xi32> to vector<1x128x1xi32>
    tpu.vector_store %arg4[%swap3A_313, %swap3A_314, %swap3A_315], %swap3A_318 {strides = array<i32>} : memref<1x128x20xi32, #tpu.memory_space<vmem>>, vector<1x128x1xi32>,
    %eq3A_319 = vector.broadcast %broadcast_in_dim3A_312 : vector<128x1xi32> to vector<128x8192xi32>
    %eq3A_320 = arith.cmpi eq, %iota3A, %eq3A_319 : vector<128x8192xi32>
    %jit3A_321 = arith.constant 3.000000e+38 : f32
    %broadcast_in_dim3A_322 = vector.broadcast %jit3A_321 : f32 to vector<128x8192xf32>
    %select_n3A_323 = arith.select %eq3A_320, %broadcast_in_dim3A_322, %get3A_301 : vector<128x8192xi1>, vector<128x8192xf32>
    %swap3A_324 = arith.constant 0 : index
    %swap3A_325 = arith.constant 0 : index
    %swap3A_326 = vector.load %arg5[%swap3A_324, %swap3A_325] : memref<128x8192xf32, #tpu.memory_space<vmem>>, vector<128x8192xf32>
    tpu.vector_store %arg5[%swap3A_324, %swap3A_325], %select_n3A_323 {strides = array<i32>} : memref<128x8192xf32, #tpu.memory_space<vmem>>, vector<128x8192xf32>,
    %get3A_327 = arith.constant 0 : index
    %get3A_328 = arith.constant 0 : index
    %get3A_329 = vector.load %arg5[%get3A_327, %get3A_328] : memref<128x8192xf32, #tpu.memory_space<vmem>>, vector<128x8192xf32>
    %reduce_min3A_330 = arith.constant dense<0x7F800000> : vector<128xf32>
    %reduce_min3A_331 = vector.multi_reduction <minimumf>, %get3A_329, %reduce_min3A_330 [1] : vector<128x8192xf32> to vector<128xf32>
    %broadcast_in_dim3A_332 = vector.shape_cast %reduce_min3A_331 : vector<128xf32> to vector<128x1xf32>
    %eq3A_333 = vector.broadcast %broadcast_in_dim3A_332 : vector<128x1xf32> to vector<128x8192xf32>
    %eq3A_334 = arith.cmpf oeq, %get3A_329, %eq3A_333 : vector<128x8192xf32>
    %jit3A_335 = arith.constant 1073741824 : i32
    %broadcast_in_dim3A_336 = vector.broadcast %jit3A_335 : i32 to vector<128x8192xi32>
    %select_n3A_337 = arith.select %eq3A_334, %iota3A, %broadcast_in_dim3A_336 : vector<128x8192xi1>, vector<128x8192xi32>
    %reduce_min3A_338 = arith.constant dense<2147483647> : vector<128xi32>
    %reduce_min3A_339 = vector.multi_reduction <minsi>, %select_n3A_337, %reduce_min3A_338 [1] : vector<128x8192xi32> to vector<128xi32>
    %broadcast_in_dim3A_340 = vector.shape_cast %reduce_min3A_339 : vector<128xi32> to vector<128x1xi32>
    %swap3A_341 = arith.constant 0 : index
    %swap3A_342 = arith.constant 0 : index
    %swap3A_343 = arith.constant 10 : index
    %swap3A_344 = vector.load %arg4[%swap3A_341, %swap3A_342, %swap3A_343] : memref<1x128x20xi32, #tpu.memory_space<vmem>>, vector<1x128x1xi32>
    %swap3A_345 = vector.shape_cast %swap3A_344 : vector<1x128x1xi32> to vector<128x1xi32>
    %swap3A_346 = vector.shape_cast %broadcast_in_dim3A_340 : vector<128x1xi32> to vector<1x128x1xi32>
    tpu.vector_store %arg4[%swap3A_341, %swap3A_342, %swap3A_343], %swap3A_346 {strides = array<i32>} : memref<1x128x20xi32, #tpu.memory_space<vmem>>, vector<1x128x1xi32>,
    %eq3A_347 = vector.broadcast %broadcast_in_dim3A_340 : vector<128x1xi32> to vector<128x8192xi32>
    %eq3A_348 = arith.cmpi eq, %iota3A, %eq3A_347 : vector<128x8192xi32>
    %jit3A_349 = arith.constant 3.000000e+38 : f32
    %broadcast_in_dim3A_350 = vector.broadcast %jit3A_349 : f32 to vector<128x8192xf32>
    %select_n3A_351 = arith.select %eq3A_348, %broadcast_in_dim3A_350, %get3A_329 : vector<128x8192xi1>, vector<128x8192xf32>
    %swap3A_352 = arith.constant 0 : index
    %swap3A_353 = arith.constant 0 : index
    %swap3A_354 = vector.load %arg5[%swap3A_352, %swap3A_353] : memref<128x8192xf32, #tpu.memory_space<vmem>>, vector<128x8192xf32>
    tpu.vector_store %arg5[%swap3A_352, %swap3A_353], %select_n3A_351 {strides = array<i32>} : memref<128x8192xf32, #tpu.memory_space<vmem>>, vector<128x8192xf32>,
    %get3A_355 = arith.constant 0 : index
    %get3A_356 = arith.constant 0 : index
    %get3A_357 = vector.load %arg5[%get3A_355, %get3A_356] : memref<128x8192xf32, #tpu.memory_space<vmem>>, vector<128x8192xf32>
    %reduce_min3A_358 = arith.constant dense<0x7F800000> : vector<128xf32>
    %reduce_min3A_359 = vector.multi_reduction <minimumf>, %get3A_357, %reduce_min3A_358 [1] : vector<128x8192xf32> to vector<128xf32>
    %broadcast_in_dim3A_360 = vector.shape_cast %reduce_min3A_359 : vector<128xf32> to vector<128x1xf32>
    %eq3A_361 = vector.broadcast %broadcast_in_dim3A_360 : vector<128x1xf32> to vector<128x8192xf32>
    %eq3A_362 = arith.cmpf oeq, %get3A_357, %eq3A_361 : vector<128x8192xf32>
    %jit3A_363 = arith.constant 1073741824 : i32
    %broadcast_in_dim3A_364 = vector.broadcast %jit3A_363 : i32 to vector<128x8192xi32>
    %select_n3A_365 = arith.select %eq3A_362, %iota3A, %broadcast_in_dim3A_364 : vector<128x8192xi1>, vector<128x8192xi32>
    %reduce_min3A_366 = arith.constant dense<2147483647> : vector<128xi32>
    %reduce_min3A_367 = vector.multi_reduction <minsi>, %select_n3A_365, %reduce_min3A_366 [1] : vector<128x8192xi32> to vector<128xi32>
    %broadcast_in_dim3A_368 = vector.shape_cast %reduce_min3A_367 : vector<128xi32> to vector<128x1xi32>
    %swap3A_369 = arith.constant 0 : index
    %swap3A_370 = arith.constant 0 : index
    %swap3A_371 = arith.constant 11 : index
    %swap3A_372 = vector.load %arg4[%swap3A_369, %swap3A_370, %swap3A_371] : memref<1x128x20xi32, #tpu.memory_space<vmem>>, vector<1x128x1xi32>
    %swap3A_373 = vector.shape_cast %swap3A_372 : vector<1x128x1xi32> to vector<128x1xi32>
    %swap3A_374 = vector.shape_cast %broadcast_in_dim3A_368 : vector<128x1xi32> to vector<1x128x1xi32>
    tpu.vector_store %arg4[%swap3A_369, %swap3A_370, %swap3A_371], %swap3A_374 {strides = array<i32>} : memref<1x128x20xi32, #tpu.memory_space<vmem>>, vector<1x128x1xi32>,
    %eq3A_375 = vector.broadcast %broadcast_in_dim3A_368 : vector<128x1xi32> to vector<128x8192xi32>
    %eq3A_376 = arith.cmpi eq, %iota3A, %eq3A_375 : vector<128x8192xi32>
    %jit3A_377 = arith.constant 3.000000e+38 : f32
    %broadcast_in_dim3A_378 = vector.broadcast %jit3A_377 : f32 to vector<128x8192xf32>
    %select_n3A_379 = arith.select %eq3A_376, %broadcast_in_dim3A_378, %get3A_357 : vector<128x8192xi1>, vector<128x8192xf32>
    %swap3A_380 = arith.constant 0 : index
    %swap3A_381 = arith.constant 0 : index
    %swap3A_382 = vector.load %arg5[%swap3A_380, %swap3A_381] : memref<128x8192xf32, #tpu.memory_space<vmem>>, vector<128x8192xf32>
    tpu.vector_store %arg5[%swap3A_380, %swap3A_381], %select_n3A_379 {strides = array<i32>} : memref<128x8192xf32, #tpu.memory_space<vmem>>, vector<128x8192xf32>,
    %get3A_383 = arith.constant 0 : index
    %get3A_384 = arith.constant 0 : index
    %get3A_385 = vector.load %arg5[%get3A_383, %get3A_384] : memref<128x8192xf32, #tpu.memory_space<vmem>>, vector<128x8192xf32>
    %reduce_min3A_386 = arith.constant dense<0x7F800000> : vector<128xf32>
    %reduce_min3A_387 = vector.multi_reduction <minimumf>, %get3A_385, %reduce_min3A_386 [1] : vector<128x8192xf32> to vector<128xf32>
    %broadcast_in_dim3A_388 = vector.shape_cast %reduce_min3A_387 : vector<128xf32> to vector<128x1xf32>
    %eq3A_389 = vector.broadcast %broadcast_in_dim3A_388 : vector<128x1xf32> to vector<128x8192xf32>
    %eq3A_390 = arith.cmpf oeq, %get3A_385, %eq3A_389 : vector<128x8192xf32>
    %jit3A_391 = arith.constant 1073741824 : i32
    %broadcast_in_dim3A_392 = vector.broadcast %jit3A_391 : i32 to vector<128x8192xi32>
    %select_n3A_393 = arith.select %eq3A_390, %iota3A, %broadcast_in_dim3A_392 : vector<128x8192xi1>, vector<128x8192xi32>
    %reduce_min3A_394 = arith.constant dense<2147483647> : vector<128xi32>
    %reduce_min3A_395 = vector.multi_reduction <minsi>, %select_n3A_393, %reduce_min3A_394 [1] : vector<128x8192xi32> to vector<128xi32>
    %broadcast_in_dim3A_396 = vector.shape_cast %reduce_min3A_395 : vector<128xi32> to vector<128x1xi32>
    %swap3A_397 = arith.constant 0 : index
    %swap3A_398 = arith.constant 0 : index
    %swap3A_399 = arith.constant 12 : index
    %swap3A_400 = vector.load %arg4[%swap3A_397, %swap3A_398, %swap3A_399] : memref<1x128x20xi32, #tpu.memory_space<vmem>>, vector<1x128x1xi32>
    %swap3A_401 = vector.shape_cast %swap3A_400 : vector<1x128x1xi32> to vector<128x1xi32>
    %swap3A_402 = vector.shape_cast %broadcast_in_dim3A_396 : vector<128x1xi32> to vector<1x128x1xi32>
    tpu.vector_store %arg4[%swap3A_397, %swap3A_398, %swap3A_399], %swap3A_402 {strides = array<i32>} : memref<1x128x20xi32, #tpu.memory_space<vmem>>, vector<1x128x1xi32>,
    %eq3A_403 = vector.broadcast %broadcast_in_dim3A_396 : vector<128x1xi32> to vector<128x8192xi32>
    %eq3A_404 = arith.cmpi eq, %iota3A, %eq3A_403 : vector<128x8192xi32>
    %jit3A_405 = arith.constant 3.000000e+38 : f32
    %broadcast_in_dim3A_406 = vector.broadcast %jit3A_405 : f32 to vector<128x8192xf32>
    %select_n3A_407 = arith.select %eq3A_404, %broadcast_in_dim3A_406, %get3A_385 : vector<128x8192xi1>, vector<128x8192xf32>
    %swap3A_408 = arith.constant 0 : index
    %swap3A_409 = arith.constant 0 : index
    %swap3A_410 = vector.load %arg5[%swap3A_408, %swap3A_409] : memref<128x8192xf32, #tpu.memory_space<vmem>>, vector<128x8192xf32>
    tpu.vector_store %arg5[%swap3A_408, %swap3A_409], %select_n3A_407 {strides = array<i32>} : memref<128x8192xf32, #tpu.memory_space<vmem>>, vector<128x8192xf32>,
    %get3A_411 = arith.constant 0 : index
    %get3A_412 = arith.constant 0 : index
    %get3A_413 = vector.load %arg5[%get3A_411, %get3A_412] : memref<128x8192xf32, #tpu.memory_space<vmem>>, vector<128x8192xf32>
    %reduce_min3A_414 = arith.constant dense<0x7F800000> : vector<128xf32>
    %reduce_min3A_415 = vector.multi_reduction <minimumf>, %get3A_413, %reduce_min3A_414 [1] : vector<128x8192xf32> to vector<128xf32>
    %broadcast_in_dim3A_416 = vector.shape_cast %reduce_min3A_415 : vector<128xf32> to vector<128x1xf32>
    %eq3A_417 = vector.broadcast %broadcast_in_dim3A_416 : vector<128x1xf32> to vector<128x8192xf32>
    %eq3A_418 = arith.cmpf oeq, %get3A_413, %eq3A_417 : vector<128x8192xf32>
    %jit3A_419 = arith.constant 1073741824 : i32
    %broadcast_in_dim3A_420 = vector.broadcast %jit3A_419 : i32 to vector<128x8192xi32>
    %select_n3A_421 = arith.select %eq3A_418, %iota3A, %broadcast_in_dim3A_420 : vector<128x8192xi1>, vector<128x8192xi32>
    %reduce_min3A_422 = arith.constant dense<2147483647> : vector<128xi32>
    %reduce_min3A_423 = vector.multi_reduction <minsi>, %select_n3A_421, %reduce_min3A_422 [1] : vector<128x8192xi32> to vector<128xi32>
    %broadcast_in_dim3A_424 = vector.shape_cast %reduce_min3A_423 : vector<128xi32> to vector<128x1xi32>
    %swap3A_425 = arith.constant 0 : index
    %swap3A_426 = arith.constant 0 : index
    %swap3A_427 = arith.constant 13 : index
    %swap3A_428 = vector.load %arg4[%swap3A_425, %swap3A_426, %swap3A_427] : memref<1x128x20xi32, #tpu.memory_space<vmem>>, vector<1x128x1xi32>
    %swap3A_429 = vector.shape_cast %swap3A_428 : vector<1x128x1xi32> to vector<128x1xi32>
    %swap3A_430 = vector.shape_cast %broadcast_in_dim3A_424 : vector<128x1xi32> to vector<1x128x1xi32>
    tpu.vector_store %arg4[%swap3A_425, %swap3A_426, %swap3A_427], %swap3A_430 {strides = array<i32>} : memref<1x128x20xi32, #tpu.memory_space<vmem>>, vector<1x128x1xi32>,
    %eq3A_431 = vector.broadcast %broadcast_in_dim3A_424 : vector<128x1xi32> to vector<128x8192xi32>
    %eq3A_432 = arith.cmpi eq, %iota3A, %eq3A_431 : vector<128x8192xi32>
    %jit3A_433 = arith.constant 3.000000e+38 : f32
    %broadcast_in_dim3A_434 = vector.broadcast %jit3A_433 : f32 to vector<128x8192xf32>
    %select_n3A_435 = arith.select %eq3A_432, %broadcast_in_dim3A_434, %get3A_413 : vector<128x8192xi1>, vector<128x8192xf32>
    %swap3A_436 = arith.constant 0 : index
    %swap3A_437 = arith.constant 0 : index
    %swap3A_438 = vector.load %arg5[%swap3A_436, %swap3A_437] : memref<128x8192xf32, #tpu.memory_space<vmem>>, vector<128x8192xf32>
    tpu.vector_store %arg5[%swap3A_436, %swap3A_437], %select_n3A_435 {strides = array<i32>} : memref<128x8192xf32, #tpu.memory_space<vmem>>, vector<128x8192xf32>,
    %get3A_439 = arith.constant 0 : index
    %get3A_440 = arith.constant 0 : index
    %get3A_441 = vector.load %arg5[%get3A_439, %get3A_440] : memref<128x8192xf32, #tpu.memory_space<vmem>>, vector<128x8192xf32>
    %reduce_min3A_442 = arith.constant dense<0x7F800000> : vector<128xf32>
    %reduce_min3A_443 = vector.multi_reduction <minimumf>, %get3A_441, %reduce_min3A_442 [1] : vector<128x8192xf32> to vector<128xf32>
    %broadcast_in_dim3A_444 = vector.shape_cast %reduce_min3A_443 : vector<128xf32> to vector<128x1xf32>
    %eq3A_445 = vector.broadcast %broadcast_in_dim3A_444 : vector<128x1xf32> to vector<128x8192xf32>
    %eq3A_446 = arith.cmpf oeq, %get3A_441, %eq3A_445 : vector<128x8192xf32>
    %jit3A_447 = arith.constant 1073741824 : i32
    %broadcast_in_dim3A_448 = vector.broadcast %jit3A_447 : i32 to vector<128x8192xi32>
    %select_n3A_449 = arith.select %eq3A_446, %iota3A, %broadcast_in_dim3A_448 : vector<128x8192xi1>, vector<128x8192xi32>
    %reduce_min3A_450 = arith.constant dense<2147483647> : vector<128xi32>
    %reduce_min3A_451 = vector.multi_reduction <minsi>, %select_n3A_449, %reduce_min3A_450 [1] : vector<128x8192xi32> to vector<128xi32>
    %broadcast_in_dim3A_452 = vector.shape_cast %reduce_min3A_451 : vector<128xi32> to vector<128x1xi32>
    %swap3A_453 = arith.constant 0 : index
    %swap3A_454 = arith.constant 0 : index
    %swap3A_455 = arith.constant 14 : index
    %swap3A_456 = vector.load %arg4[%swap3A_453, %swap3A_454, %swap3A_455] : memref<1x128x20xi32, #tpu.memory_space<vmem>>, vector<1x128x1xi32>
    %swap3A_457 = vector.shape_cast %swap3A_456 : vector<1x128x1xi32> to vector<128x1xi32>
    %swap3A_458 = vector.shape_cast %broadcast_in_dim3A_452 : vector<128x1xi32> to vector<1x128x1xi32>
    tpu.vector_store %arg4[%swap3A_453, %swap3A_454, %swap3A_455], %swap3A_458 {strides = array<i32>} : memref<1x128x20xi32, #tpu.memory_space<vmem>>, vector<1x128x1xi32>,
    %eq3A_459 = vector.broadcast %broadcast_in_dim3A_452 : vector<128x1xi32> to vector<128x8192xi32>
    %eq3A_460 = arith.cmpi eq, %iota3A, %eq3A_459 : vector<128x8192xi32>
    %jit3A_461 = arith.constant 3.000000e+38 : f32
    %broadcast_in_dim3A_462 = vector.broadcast %jit3A_461 : f32 to vector<128x8192xf32>
    %select_n3A_463 = arith.select %eq3A_460, %broadcast_in_dim3A_462, %get3A_441 : vector<128x8192xi1>, vector<128x8192xf32>
    %swap3A_464 = arith.constant 0 : index
    %swap3A_465 = arith.constant 0 : index
    %swap3A_466 = vector.load %arg5[%swap3A_464, %swap3A_465] : memref<128x8192xf32, #tpu.memory_space<vmem>>, vector<128x8192xf32>
    tpu.vector_store %arg5[%swap3A_464, %swap3A_465], %select_n3A_463 {strides = array<i32>} : memref<128x8192xf32, #tpu.memory_space<vmem>>, vector<128x8192xf32>,
    %get3A_467 = arith.constant 0 : index
    %get3A_468 = arith.constant 0 : index
    %get3A_469 = vector.load %arg5[%get3A_467, %get3A_468] : memref<128x8192xf32, #tpu.memory_space<vmem>>, vector<128x8192xf32>
    %reduce_min3A_470 = arith.constant dense<0x7F800000> : vector<128xf32>
    %reduce_min3A_471 = vector.multi_reduction <minimumf>, %get3A_469, %reduce_min3A_470 [1] : vector<128x8192xf32> to vector<128xf32>
    %broadcast_in_dim3A_472 = vector.shape_cast %reduce_min3A_471 : vector<128xf32> to vector<128x1xf32>
    %eq3A_473 = vector.broadcast %broadcast_in_dim3A_472 : vector<128x1xf32> to vector<128x8192xf32>
    %eq3A_474 = arith.cmpf oeq, %get3A_469, %eq3A_473 : vector<128x8192xf32>
    %jit3A_475 = arith.constant 1073741824 : i32
    %broadcast_in_dim3A_476 = vector.broadcast %jit3A_475 : i32 to vector<128x8192xi32>
    %select_n3A_477 = arith.select %eq3A_474, %iota3A, %broadcast_in_dim3A_476 : vector<128x8192xi1>, vector<128x8192xi32>
    %reduce_min3A_478 = arith.constant dense<2147483647> : vector<128xi32>
    %reduce_min3A_479 = vector.multi_reduction <minsi>, %select_n3A_477, %reduce_min3A_478 [1] : vector<128x8192xi32> to vector<128xi32>
    %broadcast_in_dim3A_480 = vector.shape_cast %reduce_min3A_479 : vector<128xi32> to vector<128x1xi32>
    %swap3A_481 = arith.constant 0 : index
    %swap3A_482 = arith.constant 0 : index
    %swap3A_483 = arith.constant 15 : index
    %swap3A_484 = vector.load %arg4[%swap3A_481, %swap3A_482, %swap3A_483] : memref<1x128x20xi32, #tpu.memory_space<vmem>>, vector<1x128x1xi32>
    %swap3A_485 = vector.shape_cast %swap3A_484 : vector<1x128x1xi32> to vector<128x1xi32>
    %swap3A_486 = vector.shape_cast %broadcast_in_dim3A_480 : vector<128x1xi32> to vector<1x128x1xi32>
    tpu.vector_store %arg4[%swap3A_481, %swap3A_482, %swap3A_483], %swap3A_486 {strides = array<i32>} : memref<1x128x20xi32, #tpu.memory_space<vmem>>, vector<1x128x1xi32>,
    %eq3A_487 = vector.broadcast %broadcast_in_dim3A_480 : vector<128x1xi32> to vector<128x8192xi32>
    %eq3A_488 = arith.cmpi eq, %iota3A, %eq3A_487 : vector<128x8192xi32>
    %jit3A_489 = arith.constant 3.000000e+38 : f32
    %broadcast_in_dim3A_490 = vector.broadcast %jit3A_489 : f32 to vector<128x8192xf32>
    %select_n3A_491 = arith.select %eq3A_488, %broadcast_in_dim3A_490, %get3A_469 : vector<128x8192xi1>, vector<128x8192xf32>
    %swap3A_492 = arith.constant 0 : index
    %swap3A_493 = arith.constant 0 : index
    %swap3A_494 = vector.load %arg5[%swap3A_492, %swap3A_493] : memref<128x8192xf32, #tpu.memory_space<vmem>>, vector<128x8192xf32>
    tpu.vector_store %arg5[%swap3A_492, %swap3A_493], %select_n3A_491 {strides = array<i32>} : memref<128x8192xf32, #tpu.memory_space<vmem>>, vector<128x8192xf32>,
    %get3A_495 = arith.constant 0 : index
    %get3A_496 = arith.constant 0 : index
    %get3A_497 = vector.load %arg5[%get3A_495, %get3A_496] : memref<128x8192xf32, #tpu.memory_space<vmem>>, vector<128x8192xf32>
    %reduce_min3A_498 = arith.constant dense<0x7F800000> : vector<128xf32>
    %reduce_min3A_499 = vector.multi_reduction <minimumf>, %get3A_497, %reduce_min3A_498 [1] : vector<128x8192xf32> to vector<128xf32>
    %broadcast_in_dim3A_500 = vector.shape_cast %reduce_min3A_499 : vector<128xf32> to vector<128x1xf32>
    %eq3A_501 = vector.broadcast %broadcast_in_dim3A_500 : vector<128x1xf32> to vector<128x8192xf32>
    %eq3A_502 = arith.cmpf oeq, %get3A_497, %eq3A_501 : vector<128x8192xf32>
    %jit3A_503 = arith.constant 1073741824 : i32
    %broadcast_in_dim3A_504 = vector.broadcast %jit3A_503 : i32 to vector<128x8192xi32>
    %select_n3A_505 = arith.select %eq3A_502, %iota3A, %broadcast_in_dim3A_504 : vector<128x8192xi1>, vector<128x8192xi32>
    %reduce_min3A_506 = arith.constant dense<2147483647> : vector<128xi32>
    %reduce_min3A_507 = vector.multi_reduction <minsi>, %select_n3A_505, %reduce_min3A_506 [1] : vector<128x8192xi32> to vector<128xi32>
    %broadcast_in_dim3A_508 = vector.shape_cast %reduce_min3A_507 : vector<128xi32> to vector<128x1xi32>
    %swap3A_509 = arith.constant 0 : index
    %swap3A_510 = arith.constant 0 : index
    %swap3A_511 = arith.constant 16 : index
    %swap3A_512 = vector.load %arg4[%swap3A_509, %swap3A_510, %swap3A_511] : memref<1x128x20xi32, #tpu.memory_space<vmem>>, vector<1x128x1xi32>
    %swap3A_513 = vector.shape_cast %swap3A_512 : vector<1x128x1xi32> to vector<128x1xi32>
    %swap3A_514 = vector.shape_cast %broadcast_in_dim3A_508 : vector<128x1xi32> to vector<1x128x1xi32>
    tpu.vector_store %arg4[%swap3A_509, %swap3A_510, %swap3A_511], %swap3A_514 {strides = array<i32>} : memref<1x128x20xi32, #tpu.memory_space<vmem>>, vector<1x128x1xi32>,
    %eq3A_515 = vector.broadcast %broadcast_in_dim3A_508 : vector<128x1xi32> to vector<128x8192xi32>
    %eq3A_516 = arith.cmpi eq, %iota3A, %eq3A_515 : vector<128x8192xi32>
    %jit3A_517 = arith.constant 3.000000e+38 : f32
    %broadcast_in_dim3A_518 = vector.broadcast %jit3A_517 : f32 to vector<128x8192xf32>
    %select_n3A_519 = arith.select %eq3A_516, %broadcast_in_dim3A_518, %get3A_497 : vector<128x8192xi1>, vector<128x8192xf32>
    %swap3A_520 = arith.constant 0 : index
    %swap3A_521 = arith.constant 0 : index
    %swap3A_522 = vector.load %arg5[%swap3A_520, %swap3A_521] : memref<128x8192xf32, #tpu.memory_space<vmem>>, vector<128x8192xf32>
    tpu.vector_store %arg5[%swap3A_520, %swap3A_521], %select_n3A_519 {strides = array<i32>} : memref<128x8192xf32, #tpu.memory_space<vmem>>, vector<128x8192xf32>,
    %get3A_523 = arith.constant 0 : index
    %get3A_524 = arith.constant 0 : index
    %get3A_525 = vector.load %arg5[%get3A_523, %get3A_524] : memref<128x8192xf32, #tpu.memory_space<vmem>>, vector<128x8192xf32>
    %reduce_min3A_526 = arith.constant dense<0x7F800000> : vector<128xf32>
    %reduce_min3A_527 = vector.multi_reduction <minimumf>, %get3A_525, %reduce_min3A_526 [1] : vector<128x8192xf32> to vector<128xf32>
    %broadcast_in_dim3A_528 = vector.shape_cast %reduce_min3A_527 : vector<128xf32> to vector<128x1xf32>
    %eq3A_529 = vector.broadcast %broadcast_in_dim3A_528 : vector<128x1xf32> to vector<128x8192xf32>
    %eq3A_530 = arith.cmpf oeq, %get3A_525, %eq3A_529 : vector<128x8192xf32>
    %jit3A_531 = arith.constant 1073741824 : i32
    %broadcast_in_dim3A_532 = vector.broadcast %jit3A_531 : i32 to vector<128x8192xi32>
    %select_n3A_533 = arith.select %eq3A_530, %iota3A, %broadcast_in_dim3A_532 : vector<128x8192xi1>, vector<128x8192xi32>
    %reduce_min3A_534 = arith.constant dense<2147483647> : vector<128xi32>
    %reduce_min3A_535 = vector.multi_reduction <minsi>, %select_n3A_533, %reduce_min3A_534 [1] : vector<128x8192xi32> to vector<128xi32>
    %broadcast_in_dim3A_536 = vector.shape_cast %reduce_min3A_535 : vector<128xi32> to vector<128x1xi32>
    %swap3A_537 = arith.constant 0 : index
    %swap3A_538 = arith.constant 0 : index
    %swap3A_539 = arith.constant 17 : index
    %swap3A_540 = vector.load %arg4[%swap3A_537, %swap3A_538, %swap3A_539] : memref<1x128x20xi32, #tpu.memory_space<vmem>>, vector<1x128x1xi32>
    %swap3A_541 = vector.shape_cast %swap3A_540 : vector<1x128x1xi32> to vector<128x1xi32>
    %swap3A_542 = vector.shape_cast %broadcast_in_dim3A_536 : vector<128x1xi32> to vector<1x128x1xi32>
    tpu.vector_store %arg4[%swap3A_537, %swap3A_538, %swap3A_539], %swap3A_542 {strides = array<i32>} : memref<1x128x20xi32, #tpu.memory_space<vmem>>, vector<1x128x1xi32>,
    %eq3A_543 = vector.broadcast %broadcast_in_dim3A_536 : vector<128x1xi32> to vector<128x8192xi32>
    %eq3A_544 = arith.cmpi eq, %iota3A, %eq3A_543 : vector<128x8192xi32>
    %jit3A_545 = arith.constant 3.000000e+38 : f32
    %broadcast_in_dim3A_546 = vector.broadcast %jit3A_545 : f32 to vector<128x8192xf32>
    %select_n3A_547 = arith.select %eq3A_544, %broadcast_in_dim3A_546, %get3A_525 : vector<128x8192xi1>, vector<128x8192xf32>
    %swap3A_548 = arith.constant 0 : index
    %swap3A_549 = arith.constant 0 : index
    %swap3A_550 = vector.load %arg5[%swap3A_548, %swap3A_549] : memref<128x8192xf32, #tpu.memory_space<vmem>>, vector<128x8192xf32>
    tpu.vector_store %arg5[%swap3A_548, %swap3A_549], %select_n3A_547 {strides = array<i32>} : memref<128x8192xf32, #tpu.memory_space<vmem>>, vector<128x8192xf32>,
    %get3A_551 = arith.constant 0 : index
    %get3A_552 = arith.constant 0 : index
    %get3A_553 = vector.load %arg5[%get3A_551, %get3A_552] : memref<128x8192xf32, #tpu.memory_space<vmem>>, vector<128x8192xf32>
    %reduce_min3A_554 = arith.constant dense<0x7F800000> : vector<128xf32>
    %reduce_min3A_555 = vector.multi_reduction <minimumf>, %get3A_553, %reduce_min3A_554 [1] : vector<128x8192xf32> to vector<128xf32>
    %broadcast_in_dim3A_556 = vector.shape_cast %reduce_min3A_555 : vector<128xf32> to vector<128x1xf32>
    %eq3A_557 = vector.broadcast %broadcast_in_dim3A_556 : vector<128x1xf32> to vector<128x8192xf32>
    %eq3A_558 = arith.cmpf oeq, %get3A_553, %eq3A_557 : vector<128x8192xf32>
    %jit3A_559 = arith.constant 1073741824 : i32
    %broadcast_in_dim3A_560 = vector.broadcast %jit3A_559 : i32 to vector<128x8192xi32>
    %select_n3A_561 = arith.select %eq3A_558, %iota3A, %broadcast_in_dim3A_560 : vector<128x8192xi1>, vector<128x8192xi32>
    %reduce_min3A_562 = arith.constant dense<2147483647> : vector<128xi32>
    %reduce_min3A_563 = vector.multi_reduction <minsi>, %select_n3A_561, %reduce_min3A_562 [1] : vector<128x8192xi32> to vector<128xi32>
    %broadcast_in_dim3A_564 = vector.shape_cast %reduce_min3A_563 : vector<128xi32> to vector<128x1xi32>
    %swap3A_565 = arith.constant 0 : index
    %swap3A_566 = arith.constant 0 : index
    %swap3A_567 = arith.constant 18 : index
    %swap3A_568 = vector.load %arg4[%swap3A_565, %swap3A_566, %swap3A_567] : memref<1x128x20xi32, #tpu.memory_space<vmem>>, vector<1x128x1xi32>
    %swap3A_569 = vector.shape_cast %swap3A_568 : vector<1x128x1xi32> to vector<128x1xi32>
    %swap3A_570 = vector.shape_cast %broadcast_in_dim3A_564 : vector<128x1xi32> to vector<1x128x1xi32>
    tpu.vector_store %arg4[%swap3A_565, %swap3A_566, %swap3A_567], %swap3A_570 {strides = array<i32>} : memref<1x128x20xi32, #tpu.memory_space<vmem>>, vector<1x128x1xi32>,
    %eq3A_571 = vector.broadcast %broadcast_in_dim3A_564 : vector<128x1xi32> to vector<128x8192xi32>
    %eq3A_572 = arith.cmpi eq, %iota3A, %eq3A_571 : vector<128x8192xi32>
    %jit3A_573 = arith.constant 3.000000e+38 : f32
    %broadcast_in_dim3A_574 = vector.broadcast %jit3A_573 : f32 to vector<128x8192xf32>
    %select_n3A_575 = arith.select %eq3A_572, %broadcast_in_dim3A_574, %get3A_553 : vector<128x8192xi1>, vector<128x8192xf32>
    %swap3A_576 = arith.constant 0 : index
    %swap3A_577 = arith.constant 0 : index
    %swap3A_578 = vector.load %arg5[%swap3A_576, %swap3A_577] : memref<128x8192xf32, #tpu.memory_space<vmem>>, vector<128x8192xf32>
    tpu.vector_store %arg5[%swap3A_576, %swap3A_577], %select_n3A_575 {strides = array<i32>} : memref<128x8192xf32, #tpu.memory_space<vmem>>, vector<128x8192xf32>,
    %get3A_579 = arith.constant 0 : index
    %get3A_580 = arith.constant 0 : index
    %get3A_581 = vector.load %arg5[%get3A_579, %get3A_580] : memref<128x8192xf32, #tpu.memory_space<vmem>>, vector<128x8192xf32>
    %reduce_min3A_582 = arith.constant dense<0x7F800000> : vector<128xf32>
    %reduce_min3A_583 = vector.multi_reduction <minimumf>, %get3A_581, %reduce_min3A_582 [1] : vector<128x8192xf32> to vector<128xf32>
    %broadcast_in_dim3A_584 = vector.shape_cast %reduce_min3A_583 : vector<128xf32> to vector<128x1xf32>
    %eq3A_585 = vector.broadcast %broadcast_in_dim3A_584 : vector<128x1xf32> to vector<128x8192xf32>
    %eq3A_586 = arith.cmpf oeq, %get3A_581, %eq3A_585 : vector<128x8192xf32>
    %jit3A_587 = arith.constant 1073741824 : i32
    %broadcast_in_dim3A_588 = vector.broadcast %jit3A_587 : i32 to vector<128x8192xi32>
    %select_n3A_589 = arith.select %eq3A_586, %iota3A, %broadcast_in_dim3A_588 : vector<128x8192xi1>, vector<128x8192xi32>
    %reduce_min3A_590 = arith.constant dense<2147483647> : vector<128xi32>
    %reduce_min3A_591 = vector.multi_reduction <minsi>, %select_n3A_589, %reduce_min3A_590 [1] : vector<128x8192xi32> to vector<128xi32>
    %broadcast_in_dim3A_592 = vector.shape_cast %reduce_min3A_591 : vector<128xi32> to vector<128x1xi32>
    %swap3A_593 = arith.constant 0 : index
    %swap3A_594 = arith.constant 0 : index
    %swap3A_595 = arith.constant 19 : index
    %swap3A_596 = vector.load %arg4[%swap3A_593, %swap3A_594, %swap3A_595] : memref<1x128x20xi32, #tpu.memory_space<vmem>>, vector<1x128x1xi32>
    %swap3A_597 = vector.shape_cast %swap3A_596 : vector<1x128x1xi32> to vector<128x1xi32>
    %swap3A_598 = vector.shape_cast %broadcast_in_dim3A_592 : vector<128x1xi32> to vector<1x128x1xi32>
    tpu.vector_store %arg4[%swap3A_593, %swap3A_594, %swap3A_595], %swap3A_598 {strides = array<i32>} : memref<1x128x20xi32, #tpu.memory_space<vmem>>, vector<1x128x1xi32>,
    %eq3A_599 = vector.broadcast %broadcast_in_dim3A_592 : vector<128x1xi32> to vector<128x8192xi32>
    %eq3A_600 = arith.cmpi eq, %iota3A, %eq3A_599 : vector<128x8192xi32>
    %jit3A_601 = arith.constant 3.000000e+38 : f32
    %broadcast_in_dim3A_602 = vector.broadcast %jit3A_601 : f32 to vector<128x8192xf32>
    %select_n3A_603 = arith.select %eq3A_600, %broadcast_in_dim3A_602, %get3A_581 : vector<128x8192xi1>, vector<128x8192xf32>
    %swap3A_604 = arith.constant 0 : index
    %swap3A_605 = arith.constant 0 : index
    %swap3A_606 = vector.load %arg5[%swap3A_604, %swap3A_605] : memref<128x8192xf32, #tpu.memory_space<vmem>>, vector<128x8192xf32>
    tpu.vector_store %arg5[%swap3A_604, %swap3A_605], %select_n3A_603 {strides = array<i32>} : memref<128x8192xf32, #tpu.memory_space<vmem>>, vector<128x8192xf32>,
    return
  }
  func.func @transform_0(%arg0: i32, %arg1: i32) -> (i32, i32, i32) {
    %c0_i32 = arith.constant 0 : i32
    %c0_i32_0 = arith.constant 0 : i32
    %c0_i32_1 = arith.constant 0 : i32
    return %arg0, %c0_i32, %c0_i32_0 : i32, i32, i32
  }
  func.func @transform_1(%arg0: i32, %arg1: i32) -> (i32, i32, i32) {
    %c0_i32 = arith.constant 0 : i32
    %c0_i32_0 = arith.constant 0 : i32
    return %arg0, %arg1, %c0_i32 : i32, i32, i32
  }
  func.func @transform_2(%arg0: i32, %arg1: i32) -> (i32, i32, i32) {
    %c0_i32 = arith.constant 0 : i32
    %c0_i32_0 = arith.constant 0 : i32
    return %arg0, %arg1, %c0_i32 : i32, i32, i32
  }
}

</mosaic_0001>

<sc_bundles>
// kernel: kernel.5.cloned.1.call-start
scs
__scs_entry_jumppad:
0x0: {  	(pc) =	sbr.rel $0x88, $3  }
0x1: {  	(tag) =	ssettag $0x0;
	lr =	simm.s32 $0x1  }
0x2: {  	[smem:$0x3F9F] =	sst lr;
	_ =	strace $0xD0000000  }
0x3: {  	_ = 	snop  }
0x4: {  	_ = 	snop  }
0x5: {  	_ = 	snop  }
0x6: {  	_ = 	snop  }
0x7: {  	_ = 	snop  }
__scs_overlays_trampoline_lowered:
0x8: {  	[smem:$0x3FAE] =	sst s0  }
0x9: {  	[smem:$0x3FAF] =	sst s1  }
0xa: {  	[smem:$0x3FB0] =	sst s2  }
0xb: {  	[smem:$0x3FB1] =	sst s3  }
0xc: {  	[smem:$0x3FB2] =	sst s4  }
0xd: {  	[smem:$0x3FB3] =	sst s5  }
0xe: {  	[smem:$0x3FB4] =	sst s6  }
0xf: {  	[smem:$0x3FB5] =	sst s7  }
0x10: {  	[smem:$0x3FB6] =	sst s8  }
0x11: {  	[smem:$0x3FB7] =	sst s9;
	s0 =	simm.s32 @!p0 $0x0  }
0x12: {  	s1 =	sld [smem:$0x3F9D];
	s0 =	simm.s32 @p0 $0x1  }
0x13: {  	[smem:$0x3FB8] =	sst s0;
	s0 =	simm.s32 @!p1 $0x0  }
0x14: {  	s2 =	sld [smem:$0x3F9C];
	s0 =	simm.s32 @p1 $0x1  }
0x15: {  	[smem:$0x3FB9] =	sst s0;
	s0 =	simm.s32 @!p2 $0x0  }
0x16: {  	s3 =	sld [smem:$0x3FDB];
	s0 =	simm.s32 @p2 $0x1  }
0x17: {  	s4 =	simm.s32 $0x1BF5;
	[smem:$0x3FBB] =	sst s0  }
0x18: {  	s0 =	sld [smem:$0x3F9E];
	_ =	swait.ge [sflag:s4], $0x0  }
0x19: {  	s7 =	sld [smem:$0x3F9F]  }
0x1a: {  	s8 =	sadd.s32 $0xFFFFE003, lr  }
0x1b: {  	s9 =	sadd.s32 $0xFFFFFEF7, lr;
	s5 =	simm.s32 $0xFFFFFFFF;
	p2 =	slt.u32 s8, $0xFFFFF086  }
0x1c: {  	p1 =	slt.u32 s9, $0xF7A;
	s5 =	simm.s32 @!p2 $0x0  }
0x1d: {  	s5 =	simm.s32 @p1 $0x1;
	p0 =	seq.s32 s7, s2  }
0x1e: {  	s7 =	smul.u32 @!p0 $0xF7A, s2;
	p2 =	seq.s32 @!p0 s5, $0x0  }
0x1f: {  	s9 =	smul.u32 $0xF7A, s1;
	s8 =	simm.s32 @!p0 $0x1BF5;
	p2 =	por !p2, p0  }
0x20: {  	[sflag:s8] =	ssyncset.s32 @!p0 $0xFFFFF086;
	s6 =	sadd.s32 @!p0 s3, s7;
	s7 =	simm.s32 @!p0 $0x108  }
0x21: {  	s3 =	sadd.s32 s3, s9;
	s6 =	sadd.s32 @!p0 $0x88, s6;
	s7 =	simm.s32 @p2 $0x1082  }
0x22: {  	[simem:s7], [sflag:s8] =	dma.local @!p0 [hbm:s6], $0xF7A  }
0x23: {  	s9 =	sor.u32 $0xD0000000, s2;
	s6 =	simm.s32 $0x108;
	_ =	swait.ge @!p0 [sflag:s8], $0x0  }
0x24: {  	s3 =	sadd.s32 $0x88, s3;
	s6 =	simm.s32 @!p1 $0x1082;
	[sflag:s4] =	ssyncset.s32 $0xFFFFF086  }
0x25: {  	[simem:s6], [sflag:s4] =	dma.local [hbm:s3], $0xF7A  }
0x26: {  	[smem:$0x3F9F] =	sst s1;
	(tag) =	ssettag s2;
	_ =	strace s9  }
0x27: {  	s1 =	sld [smem:$0x3FAF]  }
0x28: {  	s2 =	sld [smem:$0x3FB0]  }
0x29: {  	s4 =	sld [smem:$0x3FB2]  }
0x2a: {  	p0 =	seq.s32 s5, $0x0;
	s5 =	sld [smem:$0x3FB3]  }
0x2b: {  	s6 =	sld [smem:$0x3FB4]  }
0x2c: {  	s7 =	sld [smem:$0x3FB5]  }
0x2d: {  	s3 =	simm.s32 $0x108;
	s8 =	sld [smem:$0x3FB6]  }
0x2e: {  	s3 =	simm.s32 @!p0 $0x1082;
	s9 =	sld [smem:$0x3FB7]  }
0x2f: {  	lr =	sadd.s32 s0, s3;
	s0 =	sld [smem:$0x3FAE]  }
0x30: {  	s3 =	sld [smem:$0x3FB1]  }
0x31: {  	[smem:$0x3FBA] =	sst s10  }
0x32: {  	s10 =	sld [smem:$0x3FB8];
	_ =	sdelay $0x3  }
0x33: {  	p0 =	seq.s32 s10, $0x1;
	s10 =	sld [smem:$0x3FBA];
	_ =	sdelay $0x3  }
0x34: {  	[smem:$0x3FBA] =	sst s10  }
0x35: {  	s10 =	sld [smem:$0x3FB9];
	_ =	sdelay $0x3  }
0x36: {  	p1 =	seq.s32 s10, $0x1;
	s10 =	sld [smem:$0x3FBA];
	_ =	sdelay $0x3  }
0x37: {  	[smem:$0x3FBA] =	sst s10  }
0x38: {  	s10 =	sld [smem:$0x3FBB]  }
0x39: {  	_ = 	snop;
	(pc) =	sbr.ind lr, $3  }
0x3a: {  	_ = 	snop  }
0x3b: {  	_ = 	snop  }
0x3c: {  	p2 =	seq.s32 s10, $0x1;
	s10 =	sld [smem:$0x3FBA]  }
0x3d: {  	_ =	shalt  }
0x3e: {  	_ =	shalt  }
0x3f: {  	_ =	shalt  }
0x40: {  	_ =	shalt  }
0x41: {  	_ =	shalt  }
0x42: {  	_ =	shalt  }
0x43: {  	_ =	shalt  }
0x44: {  	_ =	shalt  }
0x45: {  	_ =	shalt  }
0x46: {  	_ =	shalt  }
0x47: {  	_ =	shalt  }
0x48: {  	_ =	shalt  }
0x49: {  	_ =	shalt  }
0x4a: {  	_ =	shalt  }
0x4b: {  	_ =	shalt  }
0x4c: {  	_ =	shalt  }
0x4d: {  	_ =	shalt  }
0x4e: {  	_ =	shalt  }
0x4f: {  	_ =	shalt  }
0x50: {  	_ =	shalt  }
0x51: {  	_ =	shalt  }
0x52: {  	_ =	shalt  }
0x53: {  	_ =	shalt  }
0x54: {  	_ =	shalt  }
0x55: {  	_ =	shalt  }
0x56: {  	_ =	shalt  }
0x57: {  	_ =	shalt  }
0x58: {  	_ =	shalt  }
0x59: {  	_ =	shalt  }
0x5a: {  	_ =	shalt  }
0x5b: {  	_ =	shalt  }
0x5c: {  	_ =	shalt  }
0x5d: {  	_ =	shalt  }
0x5e: {  	_ =	shalt  }
0x5f: {  	_ =	shalt  }
0x60: {  	_ =	shalt  }
0x61: {  	_ =	shalt  }
0x62: {  	_ =	shalt  }
0x63: {  	_ =	shalt  }
0x64: {  	_ =	shalt  }
0x65: {  	_ =	shalt  }
0x66: {  	_ =	shalt  }
0x67: {  	_ =	shalt  }
0x68: {  	_ =	shalt  }
0x69: {  	_ =	shalt  }
0x6a: {  	_ =	shalt  }
0x6b: {  	_ =	shalt  }
0x6c: {  	_ =	shalt  }
0x6d: {  	_ =	shalt  }
0x6e: {  	_ =	shalt  }
0x6f: {  	_ =	shalt  }
0x70: {  	_ =	shalt  }
0x71: {  	_ =	shalt  }
0x72: {  	_ =	shalt  }
0x73: {  	_ =	shalt  }
0x74: {  	_ =	shalt  }
0x75: {  	_ =	shalt  }
0x76: {  	_ =	shalt  }
0x77: {  	_ =	shalt  }
0x78: {  	_ =	shalt  }
0x79: {  	_ =	shalt  }
0x7a: {  	_ =	shalt  }
0x7b: {  	_ =	shalt  }
0x7c: {  	_ =	shalt  }
0x7d: {  	_ =	shalt  }
0x7e: {  	_ =	shalt  }
0x7f: {  	_ =	shalt  }
0x80: {  	_ =	shalt  }
0x81: {  	_ =	shalt  }
0x82: {  	_ =	shalt  }
0x83: {  	_ =	shalt  }
0x84: {  	_ =	shalt  }
0x85: {  	_ =	shalt  }
0x86: {  	_ =	shalt  }
0x87: {  	_ =	shalt  }
.Lfunc_end0:
.L_simem_size_0:
called_computation.1_lowered:
.L_overlay_start_0:
0x88: {  	s2 =	sld [smem:$0x3FD9]  }
0x89: {  	s3 =	sld [smem:$0x3FFE];
	_ =	sdelay $0x1  }
0x8a: {  	s1 =	srdreg.scid  }
0x8b: {  	s0 =	sand.u32 $0x1, s1  }
0x8c: {  	s14 =	sshll.u32 s0, $0xA;
	s2 =	sadd.s32 s3, s2  }
0x8d: {  	s2 =	sadd.s32 s2, s14  }
0x8e: {  	[smem:$0x3FC6] =	sst s2  }
0x8f: {  	_ = 	snop  }
0x90: {  	s2 =	sld [smem:$0x3FD0];
	_ =	sdelay $0x2  }
0x91: {  	s15 =	simm.s32 $0xA;
	s4 =	simm.s32 $0x10  }
0x92: {  	[smem:s4], [sflag:s15] =	dma.local [hbm:s2], $0x1  }
0x93: {  	_ =	swait.eq [sflag:s15], $0x1  }
0x94: {  	[sflag:s15] =	ssyncset.done $0x0  }
0x95: {  	[sflag:s15] =	ssyncadd.s32 $0xFFFFFFFF  }
0x96: {  	s16 =	sld [smem:$0x11];
	(tm) =	ssettm $0x1  }
0x97: {  	s17 =	sld [smem:$0x3FFB];
	_ =	sdelay $0x3  }
0x98: {  	_ =	strace s17  }
0x99: {  	s3 =	sld [smem:$0x3FFC];
	_ =	sdelay $0x3  }
0x9a: {  	_ =	strace s3  }
0x9b: {  	s3 =	sld [smem:$0x3FFD];
	_ =	sdelay $0x3  }
0x9c: {  	_ =	strace s3  }
0x9d: {  	_ =	strace $0x8FFFFFFF  }
0x9e: {  	s18 =	sld [smem:$0x3FDB];
	_ =	sdelay $0x1  }
0x9f: {  	s19 =	simm.s32 $_scs_section_size  }
0xa0: {  	s5 =	simm.s32 $_size__tile_overlayer_lowered;
	s6 =	simm.s32 $_tile_overlayer_lowered  }
0xa1: {  	s22 =	simm.s32 $0x1BFF;
	s21 =	sshll.u32 s6, $0x1;
	s3 =	sadd.s32 s19, s18  }
0xa2: {  	s7 =	simm.s32 $0x0;
	s20 =	sshll.u32 s5, $0x1;
	s5 =	sadd.s32 s21, s3  }
0xa3: {  	[timem:s7], [sflag:s22] =	dma.local [hbm:s5], s20  }
0xa4: {  	_ =	swait.ge [sflag:s22], s20  }
0xa5: {  	s4 =	ssub.s32 $0x0, s20;
	[sflag:s22] =	ssyncset.done $0x0  }
0xa6: {  	[sflag:s22] =	ssyncadd.s32 s4;
	_ =	sdelay $0x1  }
0xa7: {  	s23 =	simm.s32 $0x1B8B  }
0xa8: {  	_ =	swait.ge [sflag:s23], $0x1  }
0xa9: {  	[sflag:s23] =	ssyncset.done $0x0  }
0xaa: {  	s25 =	simm.s32 $0x1B8E;
	s24 =	sld [smem:$0x3FFE];
	[sflag:s23] =	ssyncadd.s32 $0xFFFFFFFF  }
0xab: {  	s26 =	simm.s32 $execute0_lowered;
	[smem:$0x3FD2] =	sst s25  }
0xac: {  	s5 =	sshll.u32 s26, $0x1;
	_ =	strace $0x80000046;
	[dreg:$0x1] =	wrdreg $0xFFFFFFFF  }
0xad: {  	s28 =	simm.s32 $_size_execute0_lowered;
	s3 =	sadd.s32 s3, s5;
	[dreg:$0x0] =	wrdreg $0x0  }
0xae: {  	s5 =	sshll.u32 s28, $0x1;
	[dreg:$0x2] =	wrdreg s3  }
0xaf: {  	[dreg:$0x3] =	wrdreg s5  }
0xb0: {  	[dreg:$0x4] =	wrdreg $0xC0  }
0xb1: {  	_ =	task [dreg:s7], $0x5FFFF  }
0xb2: {  	[dreg:$0x1] =	wrdreg $0xFFFFFFFF  }
0xb3: {  	[dreg:$0x0] =	wrdreg $0x60  }
0xb4: {  	[dreg:$0x2] =	wrdreg s16  }
0xb5: {  	[dreg:$0x3] =	wrdreg s24  }
0xb6: {  	[dreg:$0x4] =	wrdreg $0x9  }
0xb7: {  	_ =	task.clear_ibuf [dreg:s7], $0x5FFFF;
	_ =	strace $0x90000046  }
0xb8: {  	s29 =	simm.s32 $0x9;
	_ =	strace $0x80000048  }
0xb9: {  	_ =	swait.ge [sflag:s29], $0x1  }
0xba: {  	[sflag:s29] =	ssyncadd.s32 $0xFFFFFFFF  }
0xbb: {  	_ =	strace $0x90000048  }
0xbc: {  	_ =	sfence  }
0xbd: {  	s30 =	sld [smem:$0x0];
	_ =	sdelay $0x2  }
0xbe: {  	s31 =	sshll.u32 s1, $0xD;
	s1 =	sshrl.u32 s1, $0x2  }
0xbf: {  	s3 =	sand.u32 $0x4000, s31;
	s1 =	sadd.s32 s1, s30  }
0xc0: {  	s0 =	sor.u32 s3, s0;
	s1 =	sshll.u32 s1, $0x11  }
0xc1: {  	s0 =	sor.u32 s1, s0  }
0xc2: {  	s0 =	sadd.s32 $0x8F2B, s0  }
0xc3: {  	[sflag:s0] =	ssyncadd.remote.s32 $0x1  }
0xc4: {  	_ =	sfence.sel $0xFFFF  }
0xc5: {  	[dreg:$0x0] =	wrdreg $0xFFFFFFFF;
	(pc) =	sbr.abs _section_cstart, $3  }
0xc6: {  	[dreg:$0x1] =	wrdreg $0xFFFFFFFF  }
0xc7: {  	_ =	task.clear_ibuf [dreg:s7], $0x2FFFF;
	_ =	strace $0x9FFFFFFF  }
0xc8: {  	(tm) =	ssettm $0x7FFFFFFF  }
0xc9: {  	_ =	shalt  }
tec
execute0_lowered:
.L_overlay_start_1:
0x0: {  	(tag) =	ssettag $0x1  }
0x1: {  	s0 =	stileid.u32;
	s2 =	rddreg [dreg:$0x0]  }
0x2: {  	s1 =	srdreg.scid;
	s4 =	rddreg [dreg:$0x1]  }
0x3: {  	s12 =	simm.s32 $0x2000;
	s13 =	simm.s32 $0x1;
	s14 =	simm.s32 $0x3400  }
0x4: {  	s15 =	simm.s32 $0x400;
	s16 =	simm.s32 $0x4800;
	s3 =	sshll.u32 s0, $0x1  }
0x5: {  	s5 =	sand.u32 $0x1, s1;
	s7 =	sshrl.u32 s0, $0x2;
	s3 =	sand.u32 $0x6, s3  }
0x6: {  	s17 =	simm.s32 $0x0;
	s31 =	smul.u32 $0x550000, s7;
	s6 =	sor.u32 s5, s3  }
0x7: {  	s1 =	rddreg [dreg:$0x2];
	s9 =	sshll.u32 s7, $0x7;
	s8 =	smul.u32 $0x5000, s6  }
0x8: {  	s7 =	smul.u32 $0x110000, s7;
	s3 =	simm.s32 $0x0;
	s5 =	ssub.s32 $0x2, s5  }
0x9: {  	[smem:$0x7FF] =	sst s3;
	s10 =	sshrl.u32 s5, $0x1;
	s8 =	sor.u32 s9, s8  }
0xa: {  	s11 =	smul.u32 $0xA000, s6;
	s10 =	ssub.s32 s5, s10;
	s8 =	sshrl.u32 s8, $0x3  }
0xb: {  	_ =	strace $0x80000047;
	s9 =	smax.u32 s10, $0x1;
	s8 =	sadd.s32 s8, s4  }
0xc: {  	s10 =	simm.s32 $0x80;
	s4 =	sadd.s32 $0x2C000, s4;
	s5 =	sadd.s32 $0x22000, s8  }
0xd: {  	s6 =	sadd.s32 $0x27000, s8;
	s8 =	sadd.s32 s31, s11;
	s11 =	simm.s32 $0x200  }
.LBB2_1:
0xe: {  	[tilespmem:s12], [sflag:$0x1] =	stream.strided.gather [hbm4b:s5+s10], $0x1400, s11, s10, $0x38;
	[tilespmem:$0x5C00] =	vst v63  }
0xf: {  	_ =	swait.ge [sflag:s13], $0x1400  }
0x10: {  	[sflag:s13] =	ssyncset.done $0x0  }
0x11: {  	[sflag:s13] =	ssyncadd.s32 $0xFFFFEC00  }
0x12: {  	[tilespmem:s14], [sflag:$0x1] =	stream.strided.gather [hbm4b:s6+s10], $0x1400, s11, s10, $0x38;
	[tilespmem:$0x5C00] =	vst v63  }
0x13: {  	_ =	swait.ge [sflag:s13], $0x1400  }
0x14: {  	[sflag:s13] =	ssyncset.done $0x0  }
0x15: {  	s18 =	simm.s32 $0x0;
	[sflag:s13] =	ssyncadd.s32 $0xFFFFEC00  }
.LBB2_2:
0x16: {  	s19 =	sshrl.u32 s18, $0x3  }
0x17: {  	s20 =	sshll.u32 s18, $0x7;
	s21 =	sshll.u32 s19, $0x10  }
0x18: {  	s20 =	sand.u32 $0x380, s20;
	s21 =	sadd.s32 s7, s21  }
0x19: {  	s21 =	sor.u32 s20, s21  }
0x1a: {  	s21 =	sshrl.u32 s21, $0x3  }
0x1b: {  	s21 =	sadd.s32 s2, s21  }
0x1c: {  	[tilespmem:s3], [sflag:$0x1] =	stream.strided.gather [hbm4b:s21+s10], $0x2000, s15, s10, $0x38;
	[tilespmem:$0x5C00] =	vst v63  }
0x1d: {  	_ =	swait.ge [sflag:s13], $0x2000  }
0x1e: {  	s22 =	simm.s32 $0x2040;
	s23 =	simm.s32 $0x3440;
	[sflag:s13] =	ssyncset.done $0x0  }
0x1f: {  	s24 =	simm.s32 $0x4840;
	s21 =	simm.s32 $0xFFFFFFF8;
	[sflag:s13] =	ssyncadd.s32 $0xFFFFE000  }
.LBB2_3:
0x20: {  	v0 =	vld [tilespmem:s22+$0xFFFFFFC0]  }
0x21: {  	v1 =	vld [tilespmem:s23+$0xFFFFFFC0];
	_ =	sdelay $0x6  }
0x22: {  	v0 =	vld.idx.msk [tilespmem:v0+s3+$0x0], $0xffff  }
0x23: {  	v1 =	vld.idx.msk [tilespmem:v1+s3+$0x0], $0xffff;
	_ =	sdelay $0x4  }
0x24: {  	v0 =	vsub.f32 v0, v1;
	_ =	sdelay $0x1  }
0x25: {  	[tilespmem:s24+$0xFFFFFFC0] =	vst v0  }
0x26: {  	v0 =	vld [tilespmem:s22+$0xFFFFFFD0]  }
0x27: {  	v57 =	vld [tilespmem:s23+$0xFFFFFFD0];
	_ =	sdelay $0x6  }
0x28: {  	v0 =	vld.idx.msk [tilespmem:v0+s3+$0x0], $0xffff  }
0x29: {  	v1 =	vld.idx.msk [tilespmem:v57+s3+$0x0], $0xffff;
	_ =	sdelay $0x4  }
0x2a: {  	v0 =	vsub.f32 v0, v1;
	_ =	sdelay $0x1  }
0x2b: {  	[tilespmem:s24+$0xFFFFFFD0] =	vst v0  }
0x2c: {  	v0 =	vld [tilespmem:s22+$0xFFFFFFE0]  }
0x2d: {  	v58 =	vld [tilespmem:s23+$0xFFFFFFE0];
	_ =	sdelay $0x6  }
0x2e: {  	v0 =	vld.idx.msk [tilespmem:v0+s3+$0x0], $0xffff  }
0x2f: {  	v1 =	vld.idx.msk [tilespmem:v58+s3+$0x0], $0xffff;
	_ =	sdelay $0x4  }
0x30: {  	v0 =	vsub.f32 v0, v1;
	_ =	sdelay $0x1  }
0x31: {  	[tilespmem:s24+$0xFFFFFFE0] =	vst v0  }
0x32: {  	v0 =	vld [tilespmem:s22+$0xFFFFFFF0]  }
0x33: {  	v59 =	vld [tilespmem:s23+$0xFFFFFFF0];
	_ =	sdelay $0x6  }
0x34: {  	v0 =	vld.idx.msk [tilespmem:v0+s3+$0x0], $0xffff  }
0x35: {  	v1 =	vld.idx.msk [tilespmem:v59+s3+$0x0], $0xffff;
	_ =	sdelay $0x4  }
0x36: {  	v0 =	vsub.f32 v0, v1;
	_ =	sdelay $0x1  }
0x37: {  	[tilespmem:s24+$0xFFFFFFF0] =	vst v0  }
0x38: {  	v0 =	vld [tilespmem:s22+$0x0]  }
0x39: {  	v60 =	vld [tilespmem:s23+$0x0];
	_ =	sdelay $0x6  }
0x3a: {  	v0 =	vld.idx.msk [tilespmem:v0+s3+$0x0], $0xffff  }
0x3b: {  	v1 =	vld.idx.msk [tilespmem:v60+s3+$0x0], $0xffff;
	_ =	sdelay $0x4  }
0x3c: {  	v0 =	vsub.f32 v0, v1;
	_ =	sdelay $0x1  }
0x3d: {  	[tilespmem:s24+$0x0] =	vst v0  }
0x3e: {  	v0 =	vld [tilespmem:s22+$0x10]  }
0x3f: {  	v61 =	vld [tilespmem:s23+$0x10];
	_ =	sdelay $0x6  }
0x40: {  	v0 =	vld.idx.msk [tilespmem:v0+s3+$0x0], $0xffff  }
0x41: {  	v1 =	vld.idx.msk [tilespmem:v61+s3+$0x0], $0xffff;
	_ =	sdelay $0x4  }
0x42: {  	v0 =	vsub.f32 v0, v1;
	_ =	sdelay $0x1  }
0x43: {  	[tilespmem:s24+$0x10] =	vst v0  }
0x44: {  	v0 =	vld [tilespmem:s22+$0x20]  }
0x45: {  	v62 =	vld [tilespmem:s23+$0x20];
	_ =	sdelay $0x6  }
0x46: {  	v0 =	vld.idx.msk [tilespmem:v0+s3+$0x0], $0xffff  }
0x47: {  	v1 =	vld.idx.msk [tilespmem:v62+s3+$0x0], $0xffff;
	_ =	sdelay $0x4  }
0x48: {  	v0 =	vsub.f32 v0, v1;
	_ =	sdelay $0x1  }
0x49: {  	[tilespmem:s24+$0x20] =	vst v0  }
0x4a: {  	v0 =	vld [tilespmem:s22+$0x30]  }
0x4b: {  	v63 =	vld [tilespmem:s23+$0x30];
	_ =	sdelay $0x6  }
0x4c: {  	v0 =	vld.idx.msk [tilespmem:v0+s3+$0x0], $0xffff  }
0x4d: {  	v1 =	vld.idx.msk [tilespmem:v63+s3+$0x0], $0xffff  }
0x4e: {  	s21 =	sadd.s32 $0x8, s21  }
0x4f: {  	p0 =	slt.u32 s21, $0x138  }
.Ltmp0:
0x50: {  	_ = 	snop;
	(pc) =	sbr.rel @p0 .LBB2_3-.Ltmp0, $3  }
0x51: {  	_ = 	snop  }
0x52: {  	v0 =	vsub.f32 v0, v1;
	_ =	sdelay $0x1  }
0x53: {  	s22 =	sadd.s32 $0x80, s22;
	s23 =	sadd.s32 $0x80, s23;
	[tilespmem:s24+$0x30] =	vst v0;
	s24 =	sadd.s32 $0x80, s24  }
0x54: {  	s19 =	smul.u32 $0x50000, s19;
	_ =	sdelay $0x1  }
0x55: {  	s19 =	sadd.s32 s19, s8  }
0x56: {  	s18 =	sadd.s32 $0x1, s18;
	s19 =	sor.u32 s20, s19  }
0x57: {  	p0 =	sne.s32 s18, $0x83;
	s19 =	sshrl.u32 s19, $0x3  }
.Ltmp1:
0x58: {  	s19 =	sadd.s32 s4, s19;
	(pc) =	sbr.rel @p0 .LBB2_2-.Ltmp1, $4  }
0x59: {  	[hbm4b:s19+s10] =	stream.strided.scatter [tilespmem:s16], [sflag:$0x1], $0x1400, s15, s10, $0x38;
	[tilespmem:$0x5C00] =	vst v63  }
0x5a: {  	_ =	swait.ge [sflag:s13], $0x1400  }
0x5b: {  	[sflag:s13] =	ssyncset.done $0x0  }
0x5c: {  	[sflag:s13] =	ssyncadd.s32 $0xFFFFEC00  }
0x5d: {  	s17 =	sadd.s32 $0x1, s17  }
0x5e: {  	p0 =	sne.s32 s17, s9  }
.Ltmp2:
0x5f: {  	_ = 	snop;
	(pc) =	sbr.rel @p0 .LBB2_1-.Ltmp2, $1  }
0x60: {  	_ =	sdelay $0x3  }
0x61: {  	_ =	sfence.sel $0x180000  }
0x62: {  	[bflag:$0x0] =	sbarrier.arrive $0xFFFF  }
0x63: {  	p0 =	sne.s32 s0, $0x0;
	_ =	strace $0x90000047  }
0x64: {  	s0 =	sadd.s32 @!p0 $0x100000, s1;
	[bflag:$0x2] =	sbarrier.arrive $0xFFFF  }
0x65: {  	[sflag:s0] =	ssyncadd.tile.s32 @!p0 $0x1;
	_ =	shalt  }
.Lfunc_end2:
_tile_overlayer_lowered:
.L_overlay_start_2:
0x66: {  	(tag) =	ssettag $0x2  }
0x67: {  	s0 =	rddreg [dreg:$0x0];
	s2 =	stileid.u32  }
0x68: {  	s1 =	rddreg [dreg:$0x1];
	p0 =	sne.s32 s2, $0x0  }
0x69: {  	s3 =	rddreg [dreg:$0x2];
	[bflag:$0x3] =	sbarrier.arrive $0xFFFF;
	s2 =	simm.s32 @!p0 $0x1C01  }
0x6a: {  	[timem:s3], [sflag:s2] =	dma.local @!p0 [hbm:s0], s1  }
0x6b: {  	s0 =	simm.s32 @!p0 $0x1  }
0x6c: {  	_ =	swait.ge @!p0 [sflag:s0], s1  }
0x6d: {  	s1 =	ssub.s32 @!p0 $0x0, s1;
	[sflag:s0] =	ssyncset.done @!p0 $0x0  }
0x6e: {  	[sflag:s0] =	ssyncadd.s32 @!p0 s1  }
0x6f: {  	[bflag:$0x3] =	sbarrier.arrive $0xFFFF  }
0x70: {  	_ =	shalt  }

// kernel: sparse-core-data-format-call.cloned.1.call-start
scs
called_computation_lowered:
.L_overlay_start_0:
0x0: {  	s2 =	sld [smem:$0x3FD9]  }
0x1: {  	s3 =	sld [smem:$0x3FFE];
	_ =	sdelay $0x1  }
0x2: {  	s1 =	srdreg.scid  }
0x3: {  	s0 =	sand.u32 $0x1, s1  }
0x4: {  	s15 =	sshll.u32 s0, $0xA;
	s2 =	sadd.s32 s3, s2  }
0x5: {  	s2 =	sadd.s32 s2, s15  }
0x6: {  	[smem:$0x3FC6] =	sst s2  }
0x7: {  	_ = 	snop  }
0x8: {  	s2 =	sld [smem:$0x3FD0];
	_ =	sdelay $0x2  }
0x9: {  	s16 =	simm.s32 $0xA;
	s4 =	simm.s32 $0x10  }
0xa: {  	[smem:s4], [sflag:s16] =	dma.local [hbm:s2], $0x1  }
0xb: {  	_ =	swait.eq [sflag:s16], $0x1  }
0xc: {  	[sflag:s16] =	ssyncset.done $0x0  }
0xd: {  	[sflag:s16] =	ssyncadd.s32 $0xFFFFFFFF  }
0xe: {  	s17 =	sld [smem:$0x11];
	(tm) =	ssettm $0x1  }
0xf: {  	s18 =	sld [smem:$0x3FFB];
	_ =	sdelay $0x3  }
0x10: {  	_ =	strace s18  }
0x11: {  	s3 =	sld [smem:$0x3FFC];
	_ =	sdelay $0x3  }
0x12: {  	_ =	strace s3  }
0x13: {  	s3 =	sld [smem:$0x3FFD];
	_ =	sdelay $0x3  }
0x14: {  	_ =	strace s3  }
0x15: {  	_ =	strace $0x8FFFFFFF  }
0x16: {  	s19 =	sld [smem:$0x3FDB];
	_ =	sdelay $0x1  }
0x17: {  	s20 =	simm.s32 $_scs_section_size  }
0x18: {  	s5 =	simm.s32 $_size__tile_overlayer_lowered;
	s6 =	simm.s32 $_tile_overlayer_lowered  }
0x19: {  	s23 =	simm.s32 $0x1BFF;
	s22 =	sshll.u32 s6, $0x1;
	s3 =	sadd.s32 s20, s19  }
0x1a: {  	s7 =	simm.s32 $0x0;
	s21 =	sshll.u32 s5, $0x1;
	s5 =	sadd.s32 s22, s3  }
0x1b: {  	[timem:s7], [sflag:s23] =	dma.local [hbm:s5], s21  }
0x1c: {  	_ =	swait.ge [sflag:s23], s21  }
0x1d: {  	s4 =	ssub.s32 $0x0, s21;
	[sflag:s23] =	ssyncset.done $0x0  }
0x1e: {  	[sflag:s23] =	ssyncadd.s32 s4;
	_ =	sdelay $0x1  }
0x1f: {  	s24 =	simm.s32 $0x1B8B  }
0x20: {  	_ =	swait.ge [sflag:s24], $0x1  }
0x21: {  	[sflag:s24] =	ssyncset.done $0x0  }
0x22: {  	s26 =	simm.s32 $0x1B8E;
	s25 =	sld [smem:$0x3FFE];
	[sflag:s24] =	ssyncadd.s32 $0xFFFFFFFF  }
0x23: {  	s27 =	simm.s32 $execute0_lowered;
	[smem:$0x3FD2] =	sst s26  }
0x24: {  	s5 =	sshll.u32 s27, $0x1;
	_ =	strace $0x80000049;
	[dreg:$0x1] =	wrdreg $0xFFFFFFFF  }
0x25: {  	s28 =	simm.s32 $_size_execute0_lowered;
	s3 =	sadd.s32 s3, s5;
	[dreg:$0x0] =	wrdreg $0x0  }
0x26: {  	s5 =	sshll.u32 s28, $0x1;
	[dreg:$0x2] =	wrdreg s3  }
0x27: {  	[dreg:$0x3] =	wrdreg s5  }
0x28: {  	[dreg:$0x4] =	wrdreg $0xC0  }
0x29: {  	_ =	task [dreg:s7], $0x5FFFF  }
0x2a: {  	[dreg:$0x1] =	wrdreg $0xFFFFFFFF  }
0x2b: {  	[dreg:$0x0] =	wrdreg $0x60  }
0x2c: {  	[dreg:$0x2] =	wrdreg s25  }
0x2d: {  	[dreg:$0x3] =	wrdreg s17  }
0x2e: {  	[dreg:$0x4] =	wrdreg $0x9  }
0x2f: {  	_ =	task.clear_ibuf [dreg:s7], $0x5FFFF;
	_ =	strace $0x90000049  }
0x30: {  	s29 =	simm.s32 $0x9;
	_ =	strace $0x8000004B  }
0x31: {  	_ =	swait.ge [sflag:s29], $0x1  }
0x32: {  	[sflag:s29] =	ssyncadd.s32 $0xFFFFFFFF  }
0x33: {  	_ =	strace $0x9000004B  }
0x34: {  	_ =	sfence  }
0x35: {  	s30 =	sld [smem:$0x0];
	_ =	sdelay $0x2  }
0x36: {  	s31 =	sshll.u32 s1, $0xD;
	s1 =	sshrl.u32 s1, $0x2  }
0x37: {  	s3 =	sand.u32 $0x4000, s31;
	s1 =	sadd.s32 s1, s30  }
0x38: {  	s0 =	sor.u32 s3, s0;
	s1 =	sshll.u32 s1, $0x11  }
0x39: {  	s0 =	sor.u32 s1, s0  }
0x3a: {  	s0 =	sadd.s32 $0x8F2B, s0  }
0x3b: {  	[sflag:s0] =	ssyncadd.remote.s32 $0x1  }
0x3c: {  	_ =	sfence.sel $0xFFFF  }
0x3d: {  	[dreg:$0x0] =	wrdreg $0xFFFFFFFF;
	(pc) =	sbr.abs _section_cstart, $3  }
0x3e: {  	[dreg:$0x1] =	wrdreg $0xFFFFFFFF  }
0x3f: {  	_ =	task.clear_ibuf [dreg:s7], $0x2FFFF;
	_ =	strace $0x9FFFFFFF  }
0x40: {  	(tm) =	ssettm $0x7FFFFFFF  }
0x41: {  	_ =	shalt  }
tec
execute0_lowered:
.L_overlay_start_1:
0x0: {  	(tag) =	ssettag $0x1  }
0x1: {  	s0 =	stileid.u32;
	s2 =	srdreg.scid  }
0x2: {  	s7 =	rddreg [dreg:$0x0];
	s8 =	simm.s32 $0x2;
	s21 =	simm.s32 $0x0  }
0x3: {  	s9 =	simm.s32 $0x28000;
	s19 =	simm.s32 $0x0;
	s1 =	sshll.u32 s0, $0x7  }
0x4: {  	s22 =	simm.s32 $0x0;
	s20 =	simm.s32 $0x0;
	s3 =	ssub.s32 $0x800, s1  }
0x5: {  	s10 =	simm.s32 $0x0;
	s2 =	sand.u32 $0x1, s2;
	s4 =	sand.u32 $0x780, s3  }
0x6: {  	s5 =	ssub.s32 $0x4, s2;
	p0 =	sne.s32 s4, $0x0;
	s4 =	simm.s32 $0x1  }
0x7: {  	s3 =	sshrl.u32 s3, $0xB;
	s6 =	sshrl.u32 s5, $0x1;
	s4 =	simm.s32 @!p0 $0x0  }
0x8: {  	s11 =	simm.s32 $0x0;
	s5 =	ssub.s32 s5, s6;
	s3 =	sadd.s32 s4, s3  }
0x9: {  	s12 =	simm.s32 $0x0;
	s13 =	simm.s32 $0x0;
	s6 =	smul.u32 s3, s5  }
.Ltmp0:
0xa: {  	s14 =	simm.s32 $0x0;
	s16 =	simm.s32 $0x0;
	(pc) =	sbr.rel .LBB1_1-.Ltmp0, $4  }
0xb: {  	s18 =	simm.s32 $0x0;
	s7 =	sadd.s32 $0x2D4000, s7;
	s4 =	rddreg [dreg:$0x1]  }
0xc: {  	_ =	strace $0x8000004A;
	s5 =	simm.s32 $0x1;
	s6 =	smul.u32 $0x28, s6  }
0xd: {  	s15 =	smov.u32 s2;
	s17 =	smov.u32 s1;
	[sflag:s5] =	ssyncpa.u1 $0x0  }
0xe: {  	p0 =	por $0x0, $0x0;
	[sflag:s8] =	ssyncpa.u1 $0x0;
	s8 =	sor.u32 $0x1, s6  }
.LBB1_4:
0xf: {  	s27 =	sshra.s32 s27, $0x2;
	s31 =	sshll.u32 s13, $0x2  }
0x10: {  	p1 =	sgt.s32 s10, $0x3;
	s28 =	smov.u32 s10;
	s29 =	sand.u32 $0x78, s13  }
0x11: {  	s30 =	sshra.s32 s10, $0x1F;
	s3 =	sshra.s32 s12, $0x1F;
	p2 =	sgt.s32 s13, $0x780  }
0x12: {  	s0 =	sshra.s32 s13, $0x1F;
	s26 =	sadd.s32 s27, s26;
	s27 =	sand.u32 $0x600, s31  }
0x13: {  	s28 =	simm.s32 @!p1 $0x3;
	p1 =	sgt.s32 s12, $0x13;
	s31 =	smov.u32 s12  }
0x14: {  	s30 =	sand.u32 s30, s10;
	s3 =	sand.u32 s3, s12;
	s31 =	simm.s32 @!p1 $0x13  }
0x15: {  	s28 =	ssub.s32 s28, s30;
	s30 =	smov.u32 s13;
	s3 =	ssub.s32 s31, s3  }
0x16: {  	s30 =	simm.s32 @!p2 $0x780;
	p2 =	sgt.s32 s11, $0x3;
	s31 =	smov.u32 s11  }
0x17: {  	s27 =	sor.u32 s29, s27;
	s29 =	sadd.s32 $0xFFFFFFED, s3;
	s31 =	simm.s32 @!p2 $0x3  }
0x18: {  	p1 =	sgt.s32 s29, $0x0;
	s29 =	sand.u32 s0, s13;
	s0 =	sshra.s32 s11, $0x1F  }
0x19: {  	v5 =	vld [tilespmem:s24+$0xFFFFFFD0];
	[tilespmem:s25+$0x2040 ss:$0x81] =	vst.msk $0xffff, v4;
	s3 =	ssub.s32 $0x14, s3;
	s29 =	ssub.s32 s30, s29;
	s0 =	sand.u32 s0, s11  }
0x1a: {  	v58 =	vld [tilespmem:s24+$0xFFFFFFE0];
	[tilespmem:s25+$0x2850 ss:$0x81] =	vst.msk $0xffff, v3;
	s3 =	simm.s32 @p1 $0x0;
	s30 =	sadd.s32 $0xFFFFF880, s29;
	s0 =	ssub.s32 s31, s0  }
0x1b: {  	v59 =	vld [tilespmem:s24+$0xFFFFFFF0];
	[tilespmem:s25+$0x3060 ss:$0x81] =	vst.msk $0xffff, v2;
	s31 =	sadd.s32 $0xFFFFFFFD, s28;
	s29 =	ssub.s32 $0x800, s29;
	s28 =	ssub.s32 $0x83, s28  }
0x1c: {  	[tilespmem:s25+$0x0 ss:$0x81] =	vst.msk $0xffff, v1;
	v60 =	vld [tilespmem:s24+$0x0];
	p2 =	sgt.s32 s30, $0x7F;
	p1 =	sgt.s32 s31, $0x7F;
	s31 =	sadd.s32 $0xFFFFFFFD, s0  }
0x1d: {  	v61 =	vld [tilespmem:s24+$0x10];
	[tilespmem:s26+$0x3870 ss:$0x81] =	vst.msk $0xffff, v0;
	s0 =	ssub.s32 $0x4, s0;
	s30 =	sshll.u32 s12, $0xA;
	s29 =	simm.s32 @p2 $0x0  }
0x1e: {  	v62 =	vld [tilespmem:s24+$0x20];
	[tilespmem:s26+$0x810 ss:$0x81] =	vst.msk $0xffff, v5;
	p2 =	sgt.s32 s31, $0x0;
	s3 =	smul.u32 s29, s3;
	s29 =	sshll.u32 s11, $0x7  }
0x1f: {  	v63 =	vld [tilespmem:s24+$0xFFFFFFC0];
	[tilespmem:s26+$0x1020 ss:$0x81] =	vst.msk $0xffff, v58;
	s0 =	simm.s32 @p2 $0x0;
	s25 =	sand.u32 $0x180, s29;
	s29 =	smul.u32 $0x5000, s10  }
0x20: {  	[tilespmem:s26+$0x1830 ss:$0x81] =	vst.msk $0xffff, v59;
	s28 =	simm.s32 @p1 $0x0;
	s31 =	sshrl.u32 s13, $0x1;
	s0 =	smul.u32 s0, s3  }
0x21: {  	[tilespmem:s26+$0x2040 ss:$0x81] =	vst.msk $0xffff, v60;
	s24 =	sor.u32 s25, s27;
	s25 =	sand.u32 $0x300, s31;
	s3 =	sadd.s32 s4, s30  }
0x22: {  	[tilespmem:s26+$0x2850 ss:$0x81] =	vst.msk $0xffff, v61;
	s30 =	sand.u32 $0x7, s13;
	s3 =	sadd.s32 s25, s3;
	s0 =	smul.u32 s28, s0  }
0x23: {  	[tilespmem:s26+$0x3060 ss:$0x81] =	vst.msk $0xffff, v62;
	s24 =	sshrl.u32 s24, $0x3;
	s25 =	sshll.u32 s30, $0x12;
	s3 =	sadd.s32 s29, s3  }
0x24: {  	[tilespmem:s26+$0x0 ss:$0x81] =	vst.msk $0xffff, v63;
	s31 =	sor.u32 $0x80, s25;
	s3 =	sadd.s32 s24, s3;
	s0 =	sand.u32 $0x3FFFFFFF, s0  }
0x25: {  	[hbm4b:s3+s31] =	stream.strided.scatter [tilespmem:s23], [sflag:$0x2], s0, s9, s31, $0x20;
	[tilespmem:$0x10100] =	vst v63  }
.LBB1_5:
0x26: {  	p1 =	slt.u32 s18, $0x2;
	s3 =	smov.u32 s21;
	s24 =	smov.u32 s15  }
0x27: {  	s25 =	smov.u32 s17;
	p0 =	por !p0, !p0;
	p2 =	sgt.s32 @!p1 s21, $0x3  }
0x28: {  	s0 =	sshra.s32 @!p1 s21, $0x1F;
	p3 =	sgt.s32 @!p1 s22, $0x13;
	s23 =	sshra.s32 @!p1 s22, $0x1F  }
0x29: {  	p4 =	sgt.s32 @!p1 s19, $0x3;
	p5 =	sgt.s32 @!p1 s20, $0x780;
	p2 =	por !p2, p1  }
0x2a: {  	s0 =	sand.u32 @!p1 s0, s21;
	p3 =	por !p3, p1;
	s21 =	smov.u32 s22  }
0x2b: {  	s22 =	sand.u32 @!p1 s23, s22;
	p4 =	por !p4, p1;
	s3 =	simm.s32 @p2 $0x3  }
0x2c: {  	p5 =	por !p5, p1;
	s21 =	simm.s32 @p3 $0x13;
	s0 =	ssub.s32 @!p1 s3, s0  }
0x2d: {  	s23 =	sadd.s32 $0x80, s14;
	s3 =	ssub.s32 @!p1 s21, s22;
	s21 =	sadd.s32 @!p1 $0xFFFFFFFD, s0  }
0x2e: {  	s22 =	sadd.s32 @!p1 $0xFFFFFFED, s3;
	s0 =	ssub.s32 @!p1 $0x83, s0;
	s3 =	ssub.s32 @!p1 $0x14, s3  }
0x2f: {  	p2 =	sgt.s32 @!p1 s21, $0x7F;
	p3 =	sgt.s32 @!p1 s22, $0x0;
	s22 =	sshra.s32 @!p1 s20, $0x1F  }
0x30: {  	s21 =	sshra.s32 @!p1 s19, $0x1F;
	s22 =	sand.u32 @!p1 s22, s20;
	s20 =	simm.s32 @p5 $0x780  }
0x31: {  	s21 =	sand.u32 @!p1 s21, s19;
	s19 =	simm.s32 @p4 $0x3;
	s20 =	ssub.s32 @!p1 s20, s22  }
0x32: {  	p3 =	por !p3, p1;
	s19 =	ssub.s32 @!p1 s19, s21;
	s22 =	sadd.s32 @!p1 $0xFFFFF880, s20  }
0x33: {  	s3 =	simm.s32 @!p3 $0x0;
	s21 =	sadd.s32 @!p1 $0xFFFFFFFD, s19;
	p4 =	sgt.s32 @!p1 s22, $0x7F  }
0x34: {  	s20 =	ssub.s32 @!p1 $0x800, s20;
	p3 =	sgt.s32 @!p1 s21, $0x0;
	p4 =	por !p4, p1  }
0x35: {  	s19 =	ssub.s32 @!p1 $0x4, s19;
	p3 =	por !p3, p1;
	s20 =	simm.s32 @!p4 $0x0  }
0x36: {  	p4 =	sgt.s32 s23, $0x82;
	s3 =	smul.u32 @!p1 s20, s3;
	s20 =	sadd.s32 $0x2, s15  }
0x37: {  	p2 =	por !p2, p1;
	s19 =	simm.s32 @!p3 $0x0;
	s24 =	smov.u32 @p4 s20  }
0x38: {  	s3 =	smul.u32 @!p1 s19, s3;
	p3 =	sgt.s32 s24, $0x3;
	s19 =	simm.s32 $0x1  }
0x39: {  	s26 =	simm.s32 @!p1 $0x2;
	s0 =	simm.s32 @!p2 $0x0;
	s19 =	simm.s32 @!p3 $0x0  }
0x3a: {  	s21 =	smov.u32 s10;
	s0 =	smul.u32 @!p1 s0, s3;
	s3 =	sadd.s32 s19, s16  }
0x3b: {  	s22 =	smov.u32 s12;
	s19 =	sadd.s32 $0x800, s17;
	p2 =	sgt.s32 s3, $0x13  }
0x3c: {  	s10 =	smov.u32 s14;
	s12 =	smov.u32 s16;
	s25 =	smov.u32 @p2 s19  }
0x3d: {  	s23 =	simm.s32 @p4 $0x0;
	s3 =	simm.s32 @p2 $0x0;
	p2 =	sgt.s32 s25, $0x7FF  }
0x3e: {  	s20 =	smov.u32 s13;
	s25 =	smov.u32 @p2 s1;
	p2 =	sne.s32 s18, s8  }
.Ltmp1:
0x3f: {  	s13 =	smov.u32 s17;
	s14 =	smov.u32 s23;
	(pc) =	sbr.rel @!p2 .LBB1_6-.Ltmp1, $4  }
0x40: {  	s24 =	smov.u32 @p3 s2;
	s0 =	sand.u32 @!p1 $0x3FFFFFFF, s0;
	s19 =	smov.u32 s11  }
0x41: {  	s11 =	smov.u32 s15;
	s15 =	smov.u32 s24;
	_ =	swait.ge @!p1 [sflag:s26], s0  }
0x42: {  	s0 =	ssub.s32 @!p1 $0x0, s0;
	s16 =	smov.u32 s3;
	[sflag:s26] =	ssyncset.done @!p1 $0x0  }
0x43: {  	s18 =	sadd.s32 $0x1, s18;
	[sflag:s26] =	ssyncadd.s32 @!p1 s0;
	s17 =	smov.u32 s25  }
.LBB1_1:
0x44: {  	p1 =	sge.u32 s18, s6  }
0x45: {  	s31 =	sadd.s32 $0xFFFFFFFF, s18;
	s23 =	sxor.u32 @!p1 $0xFFFFFFFF, s18;
	s24 =	sand.u32 @!p1 $0x78, s14  }
0x46: {  	s25 =	sshll.u32 @!p1 s15, $0x7;
	s26 =	sshll.u32 @!p1 s14, $0x2;
	s27 =	smul.u32 @!p1 $0xA00, s17  }
0x47: {  	s28 =	sshll.u32 @!p1 s16, $0x7;
	s23 =	sshll.u32 @!p1 s23, $0xE;
	s25 =	sand.u32 @!p1 $0x180, s25  }
0x48: {  	s26 =	sand.u32 @!p1 $0x200, s26;
	s23 =	sand.u32 @!p1 $0x4000, s23;
	s24 =	sor.u32 @!p1 s24, s25  }
0x49: {  	s25 =	sadd.s32 @!p1 s7, s27;
	s24 =	sor.u32 @!p1 s26, s24;
	s26 =	sand.u32 @!p1 $0x7, s14  }
0x4a: {  	s25 =	sadd.s32 @!p1 s28, s25;
	s24 =	sshrl.u32 @!p1 s24, $0x3;
	s26 =	sshll.u32 @!p1 s26, $0x12  }
0x4b: {  	s24 =	sadd.s32 @!p1 s24, s25;
	s25 =	sor.u32 @!p1 $0x80, s26;
	s26 =	simm.s32 @!p1 $0x5000  }
0x4c: {  	[tilespmem:s23], [sflag:$0x1] =	stream.strided.gather @!p1 [hbm4b:s24+s25], $0x4000, s26, s25, $0x38;
	[tilespmem:$0x10100] =	vst v63  }
0x4d: {  	p1 =	sge.u32 s31, s6  }
.Ltmp2:
0x4e: {  	_ = 	snop;
	(pc) =	sbr.rel @p1 .LBB1_5-.Ltmp2, $1  }
0x4f: {  	_ =	sdelay $0x3  }
0x50: {  	s23 =	simm.s32 $0x1  }
0x51: {  	_ =	swait.ge [sflag:s5], $0x4000;
	s23 =	simm.s32 @!p0 $0x0  }
0x52: {  	[sflag:s5] =	ssyncset.done $0x0;
	s24 =	sshll.u32 s23, $0xE  }
0x53: {  	[sflag:s5] =	ssyncadd.s32 $0xFFFFC000;
	s24 =	sor.u32 $0x40, s24  }
0x54: {  	s23 =	smul.u32 $0x10200, s23;
	v0 =	vld [tilespmem:s24+$0x30]  }
0x55: {  	v1 =	vld [tilespmem:s24+$0xFFFFFFD0]  }
0x56: {  	s23 =	sshrl.u32 s23, $0x2;
	v5 =	vld [tilespmem:s24+$0xFFFFFFE0]  }
0x57: {  	v6 =	vld [tilespmem:s24+$0xFFFFFFF0];
	s26 =	sor.u32 $0x8000, s23  }
0x58: {  	s31 =	sand.u32 $0x1, s18;
	v4 =	vld [tilespmem:s24+$0x0];
	s25 =	sadd.s32 $0x0, s26  }
0x59: {  	v3 =	vld [tilespmem:s24+$0x10];
	s23 =	smul.u32 $0x10200, s31;
	[tilespmem:s25+$0x3870 ss:$0x81] =	vst.msk $0xffff, v0  }
0x5a: {  	v2 =	vld [tilespmem:s24+$0x20];
	[tilespmem:s25+$0x810 ss:$0x81] =	vst.msk $0xffff, v1  }
0x5b: {  	s23 =	sshrl.u32 s23, $0x2;
	v1 =	vld [tilespmem:s24+$0xFFFFFFC0];
	[tilespmem:s25+$0x1020 ss:$0x81] =	vst.msk $0xffff, v5;
	s24 =	sadd.s32 $0x80, s24  }
0x5c: {  	s27 =	simm.s32 $0x4;
	s28 =	simm.s32 $0x8;
	s23 =	sor.u32 $0x8000, s23;
	[tilespmem:s25+$0x1830 ss:$0x81] =	vst.msk $0xffff, v6;
	v0 =	vld [tilespmem:s24+$0x30]  }
.LBB1_3:
0x5d: {  	p1 =	sne.s32 s28, $0x1FC;
	v5 =	vld [tilespmem:s24+$0xFFFFFFD0];
	[tilespmem:s25+$0x2040 ss:$0x81] =	vst.msk $0xffff, v4  }
0x5e: {  	v6 =	vld [tilespmem:s24+$0xFFFFFFE0];
	[tilespmem:s25+$0x2850 ss:$0x81] =	vst.msk $0xffff, v3  }
0x5f: {  	s29 =	sshra.s32 s27, $0x2;
	s27 =	smov.u32 s28;
	v7 =	vld [tilespmem:s24+$0xFFFFFFF0];
	[tilespmem:s25+$0x3060 ss:$0x81] =	vst.msk $0xffff, v2  }
.Ltmp3:
0x60: {  	v4 =	vld [tilespmem:s24+$0x0];
	[tilespmem:s25+$0x0 ss:$0x81] =	vst.msk $0xffff, v1;
	s25 =	sadd.s32 s29, s26;
	(pc) =	sbr.rel @p1 .LBB1_3-.Ltmp3, $4  }
0x61: {  	v3 =	vld [tilespmem:s24+$0x10];
	[tilespmem:s25+$0x3870 ss:$0x81] =	vst.msk $0xffff, v0  }
0x62: {  	[tilespmem:s25+$0x810 ss:$0x81] =	vst.msk $0xffff, v5;
	v2 =	vld [tilespmem:s24+$0x20]  }
0x63: {  	v1 =	vld [tilespmem:s24+$0xFFFFFFC0];
	[tilespmem:s25+$0x1020 ss:$0x81] =	vst.msk $0xffff, v6;
	s24 =	sadd.s32 $0x80, s24  }
0x64: {  	s28 =	sadd.s32 $0x4, s28;
	v0 =	vld [tilespmem:s24+$0x30];
	[tilespmem:s25+$0x1830 ss:$0x81] =	vst.msk $0xffff, v7  }
.Ltmp4:
0x65: {  	_ = 	snop;
	(pc) =	sbr.rel .LBB1_4-.Ltmp4, $1  }
0x66: {  	_ =	sdelay $0x3  }
.LBB1_6:
0x67: {  	_ =	sfence.sel $0x180000  }
0x68: {  	s0 =	simm.s32 $0x1;
	[bflag:$0x0] =	sbarrier.arrive $0xFFFF  }
0x69: {  	s30 =	simm.s32 $0x2;
	[sflag:s0] =	ssyncpa.u1 $0x1  }
0x6a: {  	[sflag:s30] =	ssyncpa.u1 $0x1  }
0x6b: {  	_ =	strace $0x9000004A  }
0x6c: {  	s31 =	stileid.u32;
	[bflag:$0x2] =	sbarrier.arrive $0xFFFF  }
0x6d: {  	p0 =	sne.s32 s31, $0x0;
	s0 =	rddreg [dreg:$0x2]  }
0x6e: {  	s0 =	sadd.s32 @!p0 $0x100000, s0  }
0x6f: {  	[sflag:s0] =	ssyncadd.tile.s32 @!p0 $0x1;
	_ =	shalt  }
.Lfunc_end1:
_tile_overlayer_lowered:
.L_overlay_start_2:
0x70: {  	(tag) =	ssettag $0x2  }
0x71: {  	s0 =	rddreg [dreg:$0x0];
	s2 =	stileid.u32  }
0x72: {  	s1 =	rddreg [dreg:$0x1];
	p0 =	sne.s32 s2, $0x0  }
0x73: {  	s3 =	rddreg [dreg:$0x2];
	[bflag:$0x3] =	sbarrier.arrive $0xFFFF;
	s2 =	simm.s32 @!p0 $0x1C01  }
0x74: {  	[timem:s3], [sflag:s2] =	dma.local @!p0 [hbm:s0], s1  }
0x75: {  	s0 =	simm.s32 @!p0 $0x1  }
0x76: {  	_ =	swait.ge @!p0 [sflag:s0], s1  }
0x77: {  	s1 =	ssub.s32 @!p0 $0x0, s1;
	[sflag:s0] =	ssyncset.done @!p0 $0x0  }
0x78: {  	[sflag:s0] =	ssyncadd.s32 @!p0 s1  }
0x79: {  	[bflag:$0x3] =	sbarrier.arrive $0xFFFF  }
0x7a: {  	_ =	shalt  }

</sc_bundles>
